<compile_context>
chip_gen: v7x
topology: tpu7x:2x2x1
jax: 0.10.2.dev20260603
libtpu: 0.0.44.dev20260713+nightly
codegen_flags: <defaults>
</compile_context>

<pallas_src>
import functools

import jax
import jax.numpy as jnp
from jax import lax
from jax.experimental import pallas as pl
from jax.experimental.pallas import tpu as pltpu
from jax.experimental.pallas import tpu_sc as plsc

_N = 10000
_NPAD = 10240
_E = 320000
_D = 128
_G = 64
_NC = 2
_NS = 16
_NW = _NC * _NS
_EPW = _E // _NW
_CH = 128
_NFULL = _EPW // _CH
_REM = _EPW - _NFULL * _CH
_RPT = _NPAD // _NS


def _sc_mesh():
    return plsc.VectorSubcoreMesh(core_axis_name="c", subcore_axis_name="s")


def _deg_kernel(dst, zeros16):

    @functools.partial(
        pl.kernel,
        mesh=_sc_mesh(),
        out_type=jax.ShapeDtypeStruct((_NC, _NPAD, 16), jnp.float32),
        compiler_params=pltpu.CompilerParams(use_tc_tiling_on_sc=False),
        scratch_types=[
            pltpu.VMEM((_CH,), jnp.int32),
            pltpu.VMEM((_REM,), jnp.int32),
            pltpu.VMEM((_CH, 16), jnp.float32),
            pltpu.VMEM_SHARED((_NPAD, 16), jnp.float32),
        ],
    )
    def k(dst_hbm, z_hbm, out_hbm, didx, didx2, ones_v, acc):
        cid = lax.axis_index("c")
        sid = lax.axis_index("s")
        wid = sid * _NC + cid
        base = wid * _EPW
        one_row = jnp.where(
            lax.iota(jnp.int32, 16) == 0, jnp.float32(1.0), jnp.float32(0.0)
        )

        def fill(i, carry):
            ones_v[i, :] = one_row
            return carry

        lax.fori_loop(0, _CH, fill, 0)
        pltpu.sync_copy(z_hbm, acc.at[pl.ds(sid * _RPT, _RPT)])
        plsc.subcore_barrier()

        def body(c, carry):
            off = base + c * _CH
            pltpu.sync_copy(dst_hbm.at[pl.ds(off, _CH)], didx)
            pltpu.sync_copy(ones_v, acc.at[didx], add=True)
            return carry

        lax.fori_loop(0, _NFULL, body, 0)
        off = base + _NFULL * _CH
        pltpu.sync_copy(dst_hbm.at[pl.ds(off, _REM)], didx2)
        pltpu.sync_copy(ones_v.at[pl.ds(0, _REM)], acc.at[didx2], add=True)
        plsc.subcore_barrier()
        pltpu.sync_copy(
            acc.at[pl.ds(sid * _RPT, _RPT)],
            out_hbm.at[cid, pl.ds(sid * _RPT, _RPT)],
        )

    return k(dst, zeros16)


def _edge_scatter(g, src, dst, zeros_rows):

    @functools.partial(
        pl.kernel,
        mesh=_sc_mesh(),
        out_type=jax.ShapeDtypeStruct((_NC, _NPAD, _D), jnp.float32),
        scratch_types=[
            pltpu.VMEM((_CH,), jnp.int32),
            pltpu.VMEM((_CH,), jnp.int32),
            pltpu.VMEM((_CH,), jnp.int32),
            pltpu.VMEM((_CH,), jnp.int32),
            pltpu.VMEM((_REM,), jnp.int32),
            pltpu.VMEM((_REM,), jnp.int32),
            pltpu.VMEM((_CH, _D), jnp.float32),
            pltpu.VMEM_SHARED((_NPAD, _D), jnp.float32),
            pltpu.SemaphoreType.DMA,
            pltpu.SemaphoreType.DMA,
            pltpu.SemaphoreType.DMA,
        ],
    )
    def k(g_hbm, src_hbm, dst_hbm, z_hbm, out_hbm,
          sidx0, sidx1, didx0, didx1, sidxr, didxr, rows, acc, gs, is0, is1):
        cid = lax.axis_index("c")
        sid = lax.axis_index("s")
        wid = sid * _NC + cid
        base = wid * _EPW
        pltpu.sync_copy(z_hbm, acc.at[pl.ds(sid * _RPT, _RPT)])
        plsc.subcore_barrier()

        sidx = (sidx0, sidx1)
        didx = (didx0, didx1)
        isem = (is0, is1)

        def idx_load(cc, p):
            off = base + cc * _CH
            pltpu.async_copy(src_hbm.at[pl.ds(off, _CH)], sidx[p], isem[p])
            pltpu.async_copy(dst_hbm.at[pl.ds(off, _CH)], didx[p], isem[p])

        def wait_idx(p):
            pltpu.make_async_copy(
                src_hbm.at[pl.ds(base, _CH)], sidx[p], isem[p]
            ).wait()
            pltpu.make_async_copy(
                dst_hbm.at[pl.ds(base, _CH)], didx[p], isem[p]
            ).wait()

        def chunk(cc, p, prefetch):
            wait_idx(p)
            pltpu.async_copy(g_hbm.at[sidx[p]], rows, gs).wait()
            if prefetch:
                idx_load(cc + 1, 1 - p)
            pltpu.sync_copy(rows, acc.at[didx[p]], add=True)

        idx_load(0, 0)

        def pair(i, carry):
            c = i * 2
            chunk(c, 0, True)
            chunk(c + 1, 1, True)
            return carry

        lax.fori_loop(0, (_NFULL - 2) // 2, pair, 0)
        chunk(_NFULL - 2, 0, True)
        chunk(_NFULL - 1, 1, False)

        off = base + _NFULL * _CH
        pltpu.sync_copy(src_hbm.at[pl.ds(off, _REM)], sidxr)
        pltpu.sync_copy(dst_hbm.at[pl.ds(off, _REM)], didxr)
        pltpu.async_copy(g_hbm.at[sidxr], rows.at[pl.ds(0, _REM)], gs).wait()
        pltpu.sync_copy(rows.at[pl.ds(0, _REM)], acc.at[didxr], add=True)
        plsc.subcore_barrier()
        pltpu.sync_copy(
            acc.at[pl.ds(sid * _RPT, _RPT)],
            out_hbm.at[cid, pl.ds(sid * _RPT, _RPT)],
        )

    return k(g, src, dst, zeros_rows)


_BLK = 2048
_GRID = _NPAD // _BLK


def _dinv_of(deg_ref):
    deg = jnp.sum(deg_ref[...], axis=(0, 2)) + 1.0
    return lax.rsqrt(deg)


def _first_body(deg_ref, x_ref, w_ref, o_ref):
    dinv = _dinv_of(deg_ref)
    h = jnp.dot(x_ref[...], w_ref[...], preferred_element_type=jnp.float32)
    o_ref[...] = h * dinv[:, None]


def _mid_body(deg_ref, acc_ref, g_ref, w_ref, b_ref, o_ref):
    dinv = _dinv_of(deg_ref)
    s = acc_ref[0] + acc_ref[1] + g_ref[...]
    h = jnp.maximum(s * dinv[:, None] + b_ref[...], 0.0)
    o_ref[...] = (
        jnp.dot(h, w_ref[...], preferred_element_type=jnp.float32) * dinv[:, None]
    )


def _pool_body(deg_ref, acc_ref, g_ref, b_ref, batch_ref, lw_ref, lb_ref,
               o_ref, sums_ref, cnt_ref):
    i = pl.program_id(0)
    dinv = _dinv_of(deg_ref)
    s = acc_ref[0] + acc_ref[1] + g_ref[...]
    h = jnp.maximum(s * dinv[:, None] + b_ref[...], 0.0)
    b_blk = batch_ref[0, 0, :]
    row_id = lax.broadcasted_iota(jnp.int32, (_BLK, _G), 0) + i * _BLK
    onehot = (
        (b_blk[:, None] == lax.broadcasted_iota(jnp.int32, (_BLK, _G), 1))
        & (row_id < _N)
    ).astype(jnp.float32)
    psum = lax.dot_general(
        onehot, h, (((0,), (0,)), ((), ())), preferred_element_type=jnp.float32
    )
    pcnt = jnp.sum(onehot, axis=0)

    @pl.when(i == 0)
    def _():
        sums_ref[...] = psum
        cnt_ref[...] = pcnt

    @pl.when(i > 0)
    def _():
        sums_ref[...] += psum
        cnt_ref[...] += pcnt

    @pl.when(i == _GRID - 1)
    def _():
        mean = sums_ref[...] / jnp.maximum(cnt_ref[...], 1.0)[:, None]
        o_ref[...] = (
            jnp.dot(mean, lw_ref[...], preferred_element_type=jnp.float32)
            + lb_ref[...]
        )


def _deg_spec():
    return pl.BlockSpec((_NC, _BLK, 16), lambda i: (0, i, 0))


def _row_spec():
    return pl.BlockSpec((_BLK, _D), lambda i: (i, 0))


def _acc_spec():
    return pl.BlockSpec((_NC, _BLK, _D), lambda i: (0, i, 0))


def _full_spec(shape):
    nd = len(shape)
    return pl.BlockSpec(shape, lambda i: (0,) * nd)


def _tc_first(degp, x, W):
    return pl.pallas_call(
        _first_body,
        grid=(_GRID,),
        in_specs=[_deg_spec(), _row_spec(), _full_spec((_D, _D))],
        out_specs=_row_spec(),
        out_shape=jax.ShapeDtypeStruct((_NPAD, _D), jnp.float32),
    )(degp, x, W)


def _tc_mid(degp, accp, g, W, b):
    return pl.pallas_call(
        _mid_body,
        grid=(_GRID,),
        in_specs=[_deg_spec(), _acc_spec(), _row_spec(),
                  _full_spec((_D, _D)), _full_spec((1, _D))],
        out_specs=_row_spec(),
        out_shape=jax.ShapeDtypeStruct((_NPAD, _D), jnp.float32),
    )(degp, accp, g, W, b)


def _tc_pool(degp, accp, g, b, batch3d, lw, lb):
    return pl.pallas_call(
        _pool_body,
        grid=(_GRID,),
        in_specs=[_deg_spec(), _acc_spec(), _row_spec(), _full_spec((1, _D)),
                  pl.BlockSpec((1, 1, _BLK), lambda i: (i, 0, 0)),
                  _full_spec((_D, _D)), _full_spec((1, _D))],
        out_specs=_full_spec((_G, _D)),
        out_shape=jax.ShapeDtypeStruct((_G, _D), jnp.float32),
        scratch_shapes=[
            pltpu.VMEM((_G, _D), jnp.float32),
            pltpu.VMEM((_G,), jnp.float32),
        ],
    )(degp, accp, g, b, batch3d, lw, lb)


def kernel(x, edge_index, batch, W1, b1, W2, b2, lin_W, lin_b):
    src = edge_index[0].astype(jnp.int32)
    dst = edge_index[1].astype(jnp.int32)
    x = jnp.pad(x, ((0, _NPAD - _N), (0, 0)))
    batch3d = (
        jnp.pad(batch.astype(jnp.int32), (0, _NPAD - _N))
        .reshape(_GRID, 1, _BLK)
    )
    zeros_rows = jnp.zeros((_RPT, _D), jnp.float32)
    zeros16 = jnp.zeros((_RPT, 16), jnp.float32)
    b1r = b1.reshape(1, _D)
    b2r = b2.reshape(1, _D)
    lbr = lin_b.reshape(1, _D)

    degp = _deg_kernel(dst, zeros16)
    g1 = _tc_first(degp, x, W1)
    acc1 = _edge_scatter(g1, src, dst, zeros_rows)
    g2 = _tc_mid(degp, acc1, g1, W2, b1r)
    acc2 = _edge_scatter(g2, src, dst, zeros_rows)
    return _tc_pool(degp, acc2, g2, b2r, batch3d, lin_W, lbr)

# --- scband reference (transcript-rebuilt; emitter-appended) ---
"""Pipeline reference for scband-gcn-40802189312205 (READ-ONLY COPY).

The authoritative reference and input builder live on the scoring server;
editing this copy changes nothing except your own understanding.
"""

import jax, jax.numpy as jnp
import numpy as np

N_NODES = 10000
N_EDGES = 320000
D = 128
N_GRAPHS = 64


def gcn_conv(x, src, dst, W, b, n):
    # x @ W then symmetric-normalized message passing with self-loops (PyG GCNConv)
    h = x @ W
    sl = jnp.arange(n, dtype=src.dtype)
    s = jnp.concatenate([src, sl])
    d = jnp.concatenate([dst, sl])
    deg = jax.ops.segment_sum(jnp.ones(s.shape[0], dtype=h.dtype), d, num_segments=n)
    dinv = jnp.where(deg > 0, 1.0 / jnp.sqrt(deg), 0.0)
    norm = dinv[s] * dinv[d]
    msg = h[s] * norm[:, None]
    out = jax.ops.segment_sum(msg, d, num_segments=n)
    return out + b


def setup_inputs(seed: int = 0) -> dict:
    key = jax.random.key(seed)
    ks = jax.random.split(key, 9)
    x = jax.random.normal(ks[0], (N_NODES, D), dtype=jnp.float32)
    edge_index = jax.random.randint(ks[1], (2, N_EDGES), 0, N_NODES, dtype=jnp.int64)
    batch = jnp.sort(jax.random.randint(ks[2], (N_NODES,), 0, N_GRAPHS, dtype=jnp.int64))
    scale = 1.0 / np.sqrt(D)
    W1 = jax.random.normal(ks[3], (D, D), dtype=jnp.float32) * scale
    b1 = jnp.zeros((D,), dtype=jnp.float32)
    W2 = jax.random.normal(ks[4], (D, D), dtype=jnp.float32) * scale
    b2 = jnp.zeros((D,), dtype=jnp.float32)
    lin_W = jax.random.normal(ks[5], (D, D), dtype=jnp.float32) * scale
    lin_b = jnp.zeros((D,), dtype=jnp.float32)
    return {"x": x, "edge_index": edge_index, "batch": batch, "W1": W1, "b1": b1, "W2": W2, "b2": b2, "lin_W": lin_W, "lin_b": lin_b}


def reference(x, edge_index, batch, W1, b1, W2, b2, lin_W, lin_b):
    n = x.shape[0]
    src, dst = edge_index[0], edge_index[1]
    h = jax.nn.relu(gcn_conv(x, src, dst, W1, b1, n))
    h = jax.nn.relu(gcn_conv(h, src, dst, W2, b2, n))
    # global_mean_pool over batch assignment
    sums = jax.ops.segment_sum(h, batch, num_segments=N_GRAPHS)
    cnt = jax.ops.segment_sum(jnp.ones((n,), dtype=h.dtype), batch, num_segments=N_GRAPHS)
    mean = sums / jnp.maximum(cnt, 1.0)[:, None]
    return mean @ lin_W + lin_b

if __name__ == "__main__":
    import jax
    _d = setup_inputs()
    print(jax.jit(kernel)(*tuple(_d.values())))

</pallas_src>

<mosaic_0001>
#map = affine_map<(d0, d1) -> (0)>
#map1 = affine_map<(d0, d1) -> (0, 0)>
#map2 = affine_map<(d0, d1) -> (0, 0, 0)>
module attributes {stable_mosaic.version = 14 : i64} {
  func.func @k(%arg0: i32, %arg1: i32, %arg2: memref<320000xi32, #tpu.memory_space<hbm>>, %arg3: memref<640x16xf32, #tpu.memory_space<hbm>>, %arg4: memref<2x10240x16xf32, #tpu.memory_space<hbm>>, %arg5: memref<128xi32, #tpu.memory_space<vmem>>, %arg6: memref<16xi32, #tpu.memory_space<vmem>>, %arg7: memref<128x16xf32, #tpu.memory_space<vmem>>, %arg8: memref<10240x16xf32, #tpu.memory_space<vmem_shared>>) attributes {dimension_semantics = [#tpu.dimension_semantics<core_parallel>, #tpu.dimension_semantics<subcore_parallel>], iteration_bounds = array<i64: 2, 16>, scalar_prefetch = 0 : i64, scratch_operands = 4 : i64, tpu.core_type = #tpu.core_type<sc_vector_subcore>, window_params = [{transform_indices = #map}, {transform_indices = #map1}, {transform_indices = #map2}]} {
    %mul3A = arith.constant 2 : i32
    %mul3A_0 = arith.muli %arg1, %mul3A : i32
    %add3A = arith.addi %mul3A_0, %arg0 : i32
    %mul3A_1 = arith.constant 10000 : i32
    %mul3A_2 = arith.muli %add3A, %mul3A_1 : i32
    %iota3A = tpu.iota {dimensions = array<i32: 0>} : vector<16xi32>
    %eq3A = arith.constant 0 : i32
    %eq3A_3 = vector.broadcast %eq3A : i32 to vector<16xi32>
    %eq3A_4 = arith.cmpi eq, %iota3A, %eq3A_3 : vector<16xi32>
    %jit3A = arith.constant 1.000000e+00 : f32
    %jit3A_5 = arith.constant 0.000000e+00 : f32
    %broadcast_in_dim3A = vector.broadcast %jit3A : f32 to vector<16xf32>
    %broadcast_in_dim3A_6 = vector.broadcast %jit3A_5 : f32 to vector<16xf32>
    %select_n3A = arith.select %eq3A_4, %broadcast_in_dim3A, %broadcast_in_dim3A_6 : vector<16xi1>, vector<16xf32>
    %scan3A = arith.constant 0 : i32
    %scan3A_7 = arith.constant 0 : i32
    %scan3A_8 = arith.constant 128 : i32
    %scan3A_9 = arith.addi %scan3A_7, %scan3A_8 : i32
    %scan3A_10 = arith.constant 1 : i32
    scf.for %scan3A_27 = %scan3A_7 to %scan3A_9 step %scan3A_10  : i32 {
      %swap3A = arith.index_cast %scan3A_27 : i32 to index
      %swap3A_28 = arith.constant 0 : index
      %swap3A_29 = tpu.vector_load %arg7[%swap3A, %swap3A_28] {strides = array<i32>} : memref<128x16xf32, #tpu.memory_space<vmem>>, vector<1x16xf32>,
      %swap3A_30 = vector.shape_cast %swap3A_29 : vector<1x16xf32> to vector<16xf32>
      %swap3A_31 = vector.shape_cast %select_n3A : vector<16xf32> to vector<1x16xf32>
      tpu.vector_store %arg7[%swap3A, %swap3A_28], %swap3A_31 {strides = array<i32>} : memref<128x16xf32, #tpu.memory_space<vmem>>, vector<1x16xf32>,
    }
    %scan3A_11 = arith.constant 128 : i32
    %mul3A_12 = arith.constant 640 : i32
    %mul3A_13 = arith.muli %arg1, %mul3A_12 : i32
    "tpu.region"() ({
      %run_scoped3A = tpu.sem_alloc : memref<!tpu.dma_semaphore, #tpu.memory_space<semaphore_mem>>
      %dma_start3A = arith.constant 0 : i32
      %dma_start3A_27 = tpu.memref_slice %arg8[%mul3A_13, %dma_start3A] : memref<10240x16xf32, #tpu.memory_space<vmem_shared>> -> memref<640x16xf32, #tpu.memory_space<vmem_shared>>
      tpu.enqueue_dma source(%arg3 : memref<640x16xf32, #tpu.memory_space<hbm>>) target(%dma_start3A_27 : memref<640x16xf32, #tpu.memory_space<vmem_shared>>) target_semaphore(%run_scoped3A : memref<!tpu.dma_semaphore, #tpu.memory_space<semaphore_mem>>)
      %dma_wait3A = arith.constant 0 : i32
      %dma_wait3A_28 = tpu.memref_slice %arg8[%mul3A_13, %dma_wait3A] : memref<10240x16xf32, #tpu.memory_space<vmem_shared>> -> memref<640x16xf32, #tpu.memory_space<vmem_shared>>
      tpu.wait_dma2 semaphore(%run_scoped3A : memref<!tpu.dma_semaphore, #tpu.memory_space<semaphore_mem>>) src(%arg3 : memref<640x16xf32, #tpu.memory_space<hbm>>) dst(%dma_wait3A_28 : memref<640x16xf32, #tpu.memory_space<vmem_shared>>)
      tpu.yield
    }) : () -> ()
    %barrier3A = arith.constant 0 : index
    tpu.barrier barrier_id(%barrier3A)
    %scan3A_14 = arith.constant 0 : i32
    %scan3A_15 = arith.constant 0 : i32
    %scan3A_16 = arith.constant 78 : i32
    %scan3A_17 = arith.addi %scan3A_15, %scan3A_16 : i32
    %scan3A_18 = arith.constant 1 : i32
    scf.for %scan3A_27 = %scan3A_15 to %scan3A_17 step %scan3A_18  : i32 {
      %mul3A_28 = arith.constant 128 : i32
      %mul3A_29 = arith.muli %scan3A_27, %mul3A_28 : i32
      %add3A_30 = arith.addi %mul3A_2, %mul3A_29 : i32
      "tpu.region"() ({
        %run_scoped3A = tpu.sem_alloc : memref<!tpu.dma_semaphore, #tpu.memory_space<semaphore_mem>>
        %dma_start3A = tpu.memref_slice %arg2[%add3A_30] : memref<320000xi32, #tpu.memory_space<hbm>> -> memref<128xi32, #tpu.memory_space<hbm>>
        %dma_start3A_31 = tpu.memref_slice %arg2[%add3A_30] : memref<320000xi32, #tpu.memory_space<hbm>> -> memref<128xi32, #tpu.memory_space<hbm>>
        tpu.enqueue_dma source(%dma_start3A_31 : memref<128xi32, #tpu.memory_space<hbm>>) target(%arg5 : memref<128xi32, #tpu.memory_space<vmem>>) target_semaphore(%run_scoped3A : memref<!tpu.dma_semaphore, #tpu.memory_space<semaphore_mem>>)
        %dma_wait3A = tpu.memref_slice %arg2[%add3A_30] : memref<320000xi32, #tpu.memory_space<hbm>> -> memref<128xi32, #tpu.memory_space<hbm>>
        %dma_wait3A_32 = tpu.memref_slice %arg2[%add3A_30] : memref<320000xi32, #tpu.memory_space<hbm>> -> memref<128xi32, #tpu.memory_space<hbm>>
        tpu.wait_dma2 semaphore(%run_scoped3A : memref<!tpu.dma_semaphore, #tpu.memory_space<semaphore_mem>>) src(%dma_wait3A_32 : memref<128xi32, #tpu.memory_space<hbm>>) dst(%arg5 : memref<128xi32, #tpu.memory_space<vmem>>)
        tpu.yield
      }) : () -> ()
      "tpu.region"() ({
        %run_scoped3A = tpu.sem_alloc : memref<!tpu.dma_semaphore, #tpu.memory_space<semaphore_mem>>
        %dma_start3A = arith.constant 0 : i32
        %dma_start3A_31 = arith.constant 0 : i32
        %dma_start3A_32 = tpu.memref_slice %arg8[%dma_start3A, %dma_start3A_31] : memref<10240x16xf32, #tpu.memory_space<vmem_shared>> -> memref<10240x16xf32, #tpu.memory_space<vmem_shared>>
        tpu.enqueue_indirect_dma source(%arg7 : memref<128x16xf32, #tpu.memory_space<vmem>>) target(%dma_start3A_32 : memref<10240x16xf32, #tpu.memory_space<vmem_shared>>) offsets(%arg5 : memref<128xi32, #tpu.memory_space<vmem>>) semaphore(%run_scoped3A : memref<!tpu.dma_semaphore, #tpu.memory_space<semaphore_mem>>) {add = true}
        %dma_wait3A = arith.constant 0 : i32
        %dma_wait3A_33 = arith.constant 0 : i32
        %dma_wait3A_34 = tpu.memref_slice %arg8[%dma_wait3A, %dma_wait3A_33] : memref<10240x16xf32, #tpu.memory_space<vmem_shared>> -> memref<10240x16xf32, #tpu.memory_space<vmem_shared>>
        tpu.wait_indirect_dma semaphore(%run_scoped3A : memref<!tpu.dma_semaphore, #tpu.memory_space<semaphore_mem>>) src(%arg7 : memref<128x16xf32, #tpu.memory_space<vmem>>) dst(%dma_wait3A_34 : memref<10240x16xf32, #tpu.memory_space<vmem_shared>>)
        tpu.yield
      }) : () -> ()
    }
    %scan3A_19 = arith.constant 78 : i32
    %add3A_20 = arith.constant 9984 : i32
    %add3A_21 = arith.addi %mul3A_2, %add3A_20 : i32
    "tpu.region"() ({
      %run_scoped3A = tpu.sem_alloc : memref<!tpu.dma_semaphore, #tpu.memory_space<semaphore_mem>>
      %dma_start3A = tpu.memref_slice %arg2[%add3A_21] : memref<320000xi32, #tpu.memory_space<hbm>> -> memref<16xi32, #tpu.memory_space<hbm>>
      %dma_start3A_27 = tpu.memref_slice %arg2[%add3A_21] : memref<320000xi32, #tpu.memory_space<hbm>> -> memref<16xi32, #tpu.memory_space<hbm>>
      tpu.enqueue_dma source(%dma_start3A_27 : memref<16xi32, #tpu.memory_space<hbm>>) target(%arg6 : memref<16xi32, #tpu.memory_space<vmem>>) target_semaphore(%run_scoped3A : memref<!tpu.dma_semaphore, #tpu.memory_space<semaphore_mem>>)
      %dma_wait3A = tpu.memref_slice %arg2[%add3A_21] : memref<320000xi32, #tpu.memory_space<hbm>> -> memref<16xi32, #tpu.memory_space<hbm>>
      %dma_wait3A_28 = tpu.memref_slice %arg2[%add3A_21] : memref<320000xi32, #tpu.memory_space<hbm>> -> memref<16xi32, #tpu.memory_space<hbm>>
      tpu.wait_dma2 semaphore(%run_scoped3A : memref<!tpu.dma_semaphore, #tpu.memory_space<semaphore_mem>>) src(%dma_wait3A_28 : memref<16xi32, #tpu.memory_space<hbm>>) dst(%arg6 : memref<16xi32, #tpu.memory_space<vmem>>)
      tpu.yield
    }) : () -> ()
    "tpu.region"() ({
      %run_scoped3A = tpu.sem_alloc : memref<!tpu.dma_semaphore, #tpu.memory_space<semaphore_mem>>
      %dma_start3A = arith.constant 0 : i32
      %dma_start3A_27 = arith.constant 0 : i32
      %dma_start3A_28 = tpu.memref_slice %arg7[%dma_start3A, %dma_start3A_27] : memref<128x16xf32, #tpu.memory_space<vmem>> -> memref<16x16xf32, #tpu.memory_space<vmem>>
      %dma_start3A_29 = arith.constant 0 : i32
      %dma_start3A_30 = arith.constant 0 : i32
      %dma_start3A_31 = tpu.memref_slice %arg8[%dma_start3A_29, %dma_start3A_30] : memref<10240x16xf32, #tpu.memory_space<vmem_shared>> -> memref<10240x16xf32, #tpu.memory_space<vmem_shared>>
      tpu.enqueue_indirect_dma source(%dma_start3A_28 : memref<16x16xf32, #tpu.memory_space<vmem>>) target(%dma_start3A_31 : memref<10240x16xf32, #tpu.memory_space<vmem_shared>>) offsets(%arg6 : memref<16xi32, #tpu.memory_space<vmem>>) semaphore(%run_scoped3A : memref<!tpu.dma_semaphore, #tpu.memory_space<semaphore_mem>>) {add = true}
      %dma_wait3A = arith.constant 0 : i32
      %dma_wait3A_32 = arith.constant 0 : i32
      %dma_wait3A_33 = tpu.memref_slice %arg7[%dma_wait3A, %dma_wait3A_32] : memref<128x16xf32, #tpu.memory_space<vmem>> -> memref<16x16xf32, #tpu.memory_space<vmem>>
      %dma_wait3A_34 = arith.constant 0 : i32
      %dma_wait3A_35 = arith.constant 0 : i32
      %dma_wait3A_36 = tpu.memref_slice %arg8[%dma_wait3A_34, %dma_wait3A_35] : memref<10240x16xf32, #tpu.memory_space<vmem_shared>> -> memref<10240x16xf32, #tpu.memory_space<vmem_shared>>
      tpu.wait_indirect_dma semaphore(%run_scoped3A : memref<!tpu.dma_semaphore, #tpu.memory_space<semaphore_mem>>) src(%dma_wait3A_33 : memref<16x16xf32, #tpu.memory_space<vmem>>) dst(%dma_wait3A_36 : memref<10240x16xf32, #tpu.memory_space<vmem_shared>>)
      tpu.yield
    }) : () -> ()
    %barrier3A_22 = arith.constant 0 : index
    tpu.barrier barrier_id(%barrier3A_22)
    %mul3A_23 = arith.constant 640 : i32
    %mul3A_24 = arith.muli %arg1, %mul3A_23 : i32
    %mul3A_25 = arith.constant 640 : i32
    %mul3A_26 = arith.muli %arg1, %mul3A_25 : i32
    "tpu.region"() ({
      %run_scoped3A = tpu.sem_alloc : memref<!tpu.dma_semaphore, #tpu.memory_space<semaphore_mem>>
      %dma_start3A = arith.constant 0 : i32
      %dma_start3A_27 = tpu.memref_slice %arg4[%arg0, %mul3A_26, %dma_start3A] : memref<2x10240x16xf32, #tpu.memory_space<hbm>> -> memref<1x640x16xf32, #tpu.memory_space<hbm>>
      %dma_start3A_28 = tpu.memref_squeeze %dma_start3A_27 : memref<1x640x16xf32, #tpu.memory_space<hbm>> -> memref<640x16xf32, #tpu.memory_space<hbm>>
      %dma_start3A_29 = arith.constant 0 : i32
      %dma_start3A_30 = tpu.memref_slice %arg8[%mul3A_24, %dma_start3A_29] : memref<10240x16xf32, #tpu.memory_space<vmem_shared>> -> memref<640x16xf32, #tpu.memory_space<vmem_shared>>
      tpu.enqueue_dma source(%dma_start3A_30 : memref<640x16xf32, #tpu.memory_space<vmem_shared>>) target(%dma_start3A_28 : memref<640x16xf32, #tpu.memory_space<hbm>>) target_semaphore(%run_scoped3A : memref<!tpu.dma_semaphore, #tpu.memory_space<semaphore_mem>>)
      %dma_wait3A = arith.constant 0 : i32
      %dma_wait3A_31 = tpu.memref_slice %arg4[%arg0, %mul3A_26, %dma_wait3A] : memref<2x10240x16xf32, #tpu.memory_space<hbm>> -> memref<1x640x16xf32, #tpu.memory_space<hbm>>
      %dma_wait3A_32 = tpu.memref_squeeze %dma_wait3A_31 : memref<1x640x16xf32, #tpu.memory_space<hbm>> -> memref<640x16xf32, #tpu.memory_space<hbm>>
      %dma_wait3A_33 = arith.constant 0 : i32
      %dma_wait3A_34 = tpu.memref_slice %arg8[%mul3A_24, %dma_wait3A_33] : memref<10240x16xf32, #tpu.memory_space<vmem_shared>> -> memref<640x16xf32, #tpu.memory_space<vmem_shared>>
      tpu.wait_dma2 semaphore(%run_scoped3A : memref<!tpu.dma_semaphore, #tpu.memory_space<semaphore_mem>>) src(%dma_wait3A_34 : memref<640x16xf32, #tpu.memory_space<vmem_shared>>) dst(%dma_wait3A_32 : memref<640x16xf32, #tpu.memory_space<hbm>>)
      tpu.yield
    }) : () -> ()
    return
  }
}

#map = affine_map<(d0, d1) -> (0, 0)>
#map1 = affine_map<(d0, d1) -> (0)>
#map2 = affine_map<(d0, d1) -> (0, 0, 0)>
module attributes {stable_mosaic.version = 14 : i64} {
  func.func @k(%arg0: i32, %arg1: i32, %arg2: memref<10240x128xf32, #tpu.memory_space<hbm>>, %arg3: memref<320000xi32, #tpu.memory_space<hbm>>, %arg4: memref<320000xi32, #tpu.memory_space<hbm>>, %arg5: memref<640x128xf32, #tpu.memory_space<hbm>>, %arg6: memref<2x10240x128xf32, #tpu.memory_space<hbm>>, %arg7: memref<128xi32, #tpu.memory_space<vmem>>, %arg8: memref<128xi32, #tpu.memory_space<vmem>>, %arg9: memref<128xi32, #tpu.memory_space<vmem>>, %arg10: memref<128xi32, #tpu.memory_space<vmem>>, %arg11: memref<16xi32, #tpu.memory_space<vmem>>, %arg12: memref<16xi32, #tpu.memory_space<vmem>>, %arg13: memref<128x128xf32, #tpu.memory_space<vmem>>, %arg14: memref<10240x128xf32, #tpu.memory_space<vmem_shared>>, %arg15: memref<!tpu.dma_semaphore, #tpu.memory_space<semaphore_mem>>, %arg16: memref<!tpu.dma_semaphore, #tpu.memory_space<semaphore_mem>>, %arg17: memref<!tpu.dma_semaphore, #tpu.memory_space<semaphore_mem>>) attributes {dimension_semantics = [#tpu.dimension_semantics<core_parallel>, #tpu.dimension_semantics<subcore_parallel>], iteration_bounds = array<i64: 2, 16>, scalar_prefetch = 0 : i64, scratch_operands = 11 : i64, tpu.core_type = #tpu.core_type<sc_vector_subcore>, window_params = [{transform_indices = #map}, {transform_indices = #map1}, {transform_indices = #map1}, {transform_indices = #map}, {transform_indices = #map2}]} {
    %mul3A = arith.constant 2 : i32
    %mul3A_0 = arith.muli %arg1, %mul3A : i32
    %add3A = arith.addi %mul3A_0, %arg0 : i32
    %mul3A_1 = arith.constant 10000 : i32
    %mul3A_2 = arith.muli %add3A, %mul3A_1 : i32
    %mul3A_3 = arith.constant 640 : i32
    %mul3A_4 = arith.muli %arg1, %mul3A_3 : i32
    "tpu.region"() ({
      %run_scoped3A = tpu.sem_alloc : memref<!tpu.dma_semaphore, #tpu.memory_space<semaphore_mem>>
      %dma_start3A_59 = arith.constant 0 : i32
      %dma_start3A_60 = tpu.memref_slice %arg14[%mul3A_4, %dma_start3A_59] : memref<10240x128xf32, #tpu.memory_space<vmem_shared>> -> memref<640x128xf32, #tpu.memory_space<vmem_shared>>
      tpu.enqueue_dma source(%arg5 : memref<640x128xf32, #tpu.memory_space<hbm>>) target(%dma_start3A_60 : memref<640x128xf32, #tpu.memory_space<vmem_shared>>) target_semaphore(%run_scoped3A : memref<!tpu.dma_semaphore, #tpu.memory_space<semaphore_mem>>)
      %dma_wait3A_61 = arith.constant 0 : i32
      %dma_wait3A_62 = tpu.memref_slice %arg14[%mul3A_4, %dma_wait3A_61] : memref<10240x128xf32, #tpu.memory_space<vmem_shared>> -> memref<640x128xf32, #tpu.memory_space<vmem_shared>>
      tpu.wait_dma2 semaphore(%run_scoped3A : memref<!tpu.dma_semaphore, #tpu.memory_space<semaphore_mem>>) src(%arg5 : memref<640x128xf32, #tpu.memory_space<hbm>>) dst(%dma_wait3A_62 : memref<640x128xf32, #tpu.memory_space<vmem_shared>>)
      tpu.yield
    }) : () -> ()
    %barrier3A = arith.constant 0 : index
    tpu.barrier barrier_id(%barrier3A)
    %add3A_5 = arith.constant 0 : i32
    %add3A_6 = arith.addi %mul3A_2, %add3A_5 : i32
    %dma_start3A = tpu.memref_slice %arg3[%add3A_6] : memref<320000xi32, #tpu.memory_space<hbm>> -> memref<128xi32, #tpu.memory_space<hbm>>
    %dma_start3A_7 = tpu.memref_slice %arg3[%add3A_6] : memref<320000xi32, #tpu.memory_space<hbm>> -> memref<128xi32, #tpu.memory_space<hbm>>
    tpu.enqueue_dma source(%dma_start3A_7 : memref<128xi32, #tpu.memory_space<hbm>>) target(%arg7 : memref<128xi32, #tpu.memory_space<vmem>>) target_semaphore(%arg16 : memref<!tpu.dma_semaphore, #tpu.memory_space<semaphore_mem>>)
    %dma_start3A_8 = tpu.memref_slice %arg4[%add3A_6] : memref<320000xi32, #tpu.memory_space<hbm>> -> memref<128xi32, #tpu.memory_space<hbm>>
    %dma_start3A_9 = tpu.memref_slice %arg4[%add3A_6] : memref<320000xi32, #tpu.memory_space<hbm>> -> memref<128xi32, #tpu.memory_space<hbm>>
    tpu.enqueue_dma source(%dma_start3A_9 : memref<128xi32, #tpu.memory_space<hbm>>) target(%arg9 : memref<128xi32, #tpu.memory_space<vmem>>) target_semaphore(%arg16 : memref<!tpu.dma_semaphore, #tpu.memory_space<semaphore_mem>>)
    %scan3A = arith.constant 0 : i32
    %scan3A_10 = arith.constant 0 : i32
    %scan3A_11 = arith.constant 38 : i32
    %scan3A_12 = arith.addi %scan3A_10, %scan3A_11 : i32
    %scan3A_13 = arith.constant 1 : i32
    scf.for %scan3A_59 = %scan3A_10 to %scan3A_12 step %scan3A_13  : i32 {
      %mul3A_60 = arith.constant 2 : i32
      %mul3A_61 = arith.muli %scan3A_59, %mul3A_60 : i32
      %dma_wait3A_62 = tpu.memref_slice %arg3[%mul3A_2] : memref<320000xi32, #tpu.memory_space<hbm>> -> memref<128xi32, #tpu.memory_space<hbm>>
      %dma_wait3A_63 = tpu.memref_slice %arg3[%mul3A_2] : memref<320000xi32, #tpu.memory_space<hbm>> -> memref<128xi32, #tpu.memory_space<hbm>>
      tpu.wait_dma2 semaphore(%arg16 : memref<!tpu.dma_semaphore, #tpu.memory_space<semaphore_mem>>) src(%dma_wait3A_63 : memref<128xi32, #tpu.memory_space<hbm>>) dst(%arg7 : memref<128xi32, #tpu.memory_space<vmem>>)
      %dma_wait3A_64 = tpu.memref_slice %arg4[%mul3A_2] : memref<320000xi32, #tpu.memory_space<hbm>> -> memref<128xi32, #tpu.memory_space<hbm>>
      %dma_wait3A_65 = tpu.memref_slice %arg4[%mul3A_2] : memref<320000xi32, #tpu.memory_space<hbm>> -> memref<128xi32, #tpu.memory_space<hbm>>
      tpu.wait_dma2 semaphore(%arg16 : memref<!tpu.dma_semaphore, #tpu.memory_space<semaphore_mem>>) src(%dma_wait3A_65 : memref<128xi32, #tpu.memory_space<hbm>>) dst(%arg9 : memref<128xi32, #tpu.memory_space<vmem>>)
      %dma_start3A_66 = arith.constant 0 : i32
      %dma_start3A_67 = arith.constant 0 : i32
      %dma_start3A_68 = tpu.memref_slice %arg2[%dma_start3A_66, %dma_start3A_67] : memref<10240x128xf32, #tpu.memory_space<hbm>> -> memref<10240x128xf32, #tpu.memory_space<hbm>>
      tpu.enqueue_indirect_dma source(%dma_start3A_68 : memref<10240x128xf32, #tpu.memory_space<hbm>>) target(%arg13 : memref<128x128xf32, #tpu.memory_space<vmem>>) offsets(%arg7 : memref<128xi32, #tpu.memory_space<vmem>>) semaphore(%arg15 : memref<!tpu.dma_semaphore, #tpu.memory_space<semaphore_mem>>)
      %dma_wait3A_69 = arith.constant 0 : i32
      %dma_wait3A_70 = arith.constant 0 : i32
      %dma_wait3A_71 = tpu.memref_slice %arg2[%dma_wait3A_69, %dma_wait3A_70] : memref<10240x128xf32, #tpu.memory_space<hbm>> -> memref<10240x128xf32, #tpu.memory_space<hbm>>
      tpu.wait_indirect_dma semaphore(%arg15 : memref<!tpu.dma_semaphore, #tpu.memory_space<semaphore_mem>>) src(%dma_wait3A_71 : memref<10240x128xf32, #tpu.memory_space<hbm>>) dst(%arg13 : memref<128x128xf32, #tpu.memory_space<vmem>>)
      %add3A_72 = arith.constant 1 : i32
      %add3A_73 = arith.addi %mul3A_61, %add3A_72 : i32
      %mul3A_74 = arith.constant 128 : i32
      %mul3A_75 = arith.muli %add3A_73, %mul3A_74 : i32
      %add3A_76 = arith.addi %mul3A_2, %mul3A_75 : i32
      %dma_start3A_77 = tpu.memref_slice %arg3[%add3A_76] : memref<320000xi32, #tpu.memory_space<hbm>> -> memref<128xi32, #tpu.memory_space<hbm>>
      %dma_start3A_78 = tpu.memref_slice %arg3[%add3A_76] : memref<320000xi32, #tpu.memory_space<hbm>> -> memref<128xi32, #tpu.memory_space<hbm>>
      tpu.enqueue_dma source(%dma_start3A_78 : memref<128xi32, #tpu.memory_space<hbm>>) target(%arg8 : memref<128xi32, #tpu.memory_space<vmem>>) target_semaphore(%arg17 : memref<!tpu.dma_semaphore, #tpu.memory_space<semaphore_mem>>)
      %dma_start3A_79 = tpu.memref_slice %arg4[%add3A_76] : memref<320000xi32, #tpu.memory_space<hbm>> -> memref<128xi32, #tpu.memory_space<hbm>>
      %dma_start3A_80 = tpu.memref_slice %arg4[%add3A_76] : memref<320000xi32, #tpu.memory_space<hbm>> -> memref<128xi32, #tpu.memory_space<hbm>>
      tpu.enqueue_dma source(%dma_start3A_80 : memref<128xi32, #tpu.memory_space<hbm>>) target(%arg10 : memref<128xi32, #tpu.memory_space<vmem>>) target_semaphore(%arg17 : memref<!tpu.dma_semaphore, #tpu.memory_space<semaphore_mem>>)
      "tpu.region"() ({
        %run_scoped3A = tpu.sem_alloc : memref<!tpu.dma_semaphore, #tpu.memory_space<semaphore_mem>>
        %dma_start3A_102 = arith.constant 0 : i32
        %dma_start3A_103 = arith.constant 0 : i32
        %dma_start3A_104 = tpu.memref_slice %arg14[%dma_start3A_102, %dma_start3A_103] : memref<10240x128xf32, #tpu.memory_space<vmem_shared>> -> memref<10240x128xf32, #tpu.memory_space<vmem_shared>>
        tpu.enqueue_indirect_dma source(%arg13 : memref<128x128xf32, #tpu.memory_space<vmem>>) target(%dma_start3A_104 : memref<10240x128xf32, #tpu.memory_space<vmem_shared>>) offsets(%arg9 : memref<128xi32, #tpu.memory_space<vmem>>) semaphore(%run_scoped3A : memref<!tpu.dma_semaphore, #tpu.memory_space<semaphore_mem>>) {add = true}
        %dma_wait3A_105 = arith.constant 0 : i32
        %dma_wait3A_106 = arith.constant 0 : i32
        %dma_wait3A_107 = tpu.memref_slice %arg14[%dma_wait3A_105, %dma_wait3A_106] : memref<10240x128xf32, #tpu.memory_space<vmem_shared>> -> memref<10240x128xf32, #tpu.memory_space<vmem_shared>>
        tpu.wait_indirect_dma semaphore(%run_scoped3A : memref<!tpu.dma_semaphore, #tpu.memory_space<semaphore_mem>>) src(%arg13 : memref<128x128xf32, #tpu.memory_space<vmem>>) dst(%dma_wait3A_107 : memref<10240x128xf32, #tpu.memory_space<vmem_shared>>)
        tpu.yield
      }) : () -> ()
      %add3A_81 = arith.constant 1 : i32
      %add3A_82 = arith.addi %mul3A_61, %add3A_81 : i32
      %dma_wait3A_83 = tpu.memref_slice %arg3[%mul3A_2] : memref<320000xi32, #tpu.memory_space<hbm>> -> memref<128xi32, #tpu.memory_space<hbm>>
      %dma_wait3A_84 = tpu.memref_slice %arg3[%mul3A_2] : memref<320000xi32, #tpu.memory_space<hbm>> -> memref<128xi32, #tpu.memory_space<hbm>>
      tpu.wait_dma2 semaphore(%arg17 : memref<!tpu.dma_semaphore, #tpu.memory_space<semaphore_mem>>) src(%dma_wait3A_84 : memref<128xi32, #tpu.memory_space<hbm>>) dst(%arg8 : memref<128xi32, #tpu.memory_space<vmem>>)
      %dma_wait3A_85 = tpu.memref_slice %arg4[%mul3A_2] : memref<320000xi32, #tpu.memory_space<hbm>> -> memref<128xi32, #tpu.memory_space<hbm>>
      %dma_wait3A_86 = tpu.memref_slice %arg4[%mul3A_2] : memref<320000xi32, #tpu.memory_space<hbm>> -> memref<128xi32, #tpu.memory_space<hbm>>
      tpu.wait_dma2 semaphore(%arg17 : memref<!tpu.dma_semaphore, #tpu.memory_space<semaphore_mem>>) src(%dma_wait3A_86 : memref<128xi32, #tpu.memory_space<hbm>>) dst(%arg10 : memref<128xi32, #tpu.memory_space<vmem>>)
      %dma_start3A_87 = arith.constant 0 : i32
      %dma_start3A_88 = arith.constant 0 : i32
      %dma_start3A_89 = tpu.memref_slice %arg2[%dma_start3A_87, %dma_start3A_88] : memref<10240x128xf32, #tpu.memory_space<hbm>> -> memref<10240x128xf32, #tpu.memory_space<hbm>>
      tpu.enqueue_indirect_dma source(%dma_start3A_89 : memref<10240x128xf32, #tpu.memory_space<hbm>>) target(%arg13 : memref<128x128xf32, #tpu.memory_space<vmem>>) offsets(%arg8 : memref<128xi32, #tpu.memory_space<vmem>>) semaphore(%arg15 : memref<!tpu.dma_semaphore, #tpu.memory_space<semaphore_mem>>)
      %dma_wait3A_90 = arith.constant 0 : i32
      %dma_wait3A_91 = arith.constant 0 : i32
      %dma_wait3A_92 = tpu.memref_slice %arg2[%dma_wait3A_90, %dma_wait3A_91] : memref<10240x128xf32, #tpu.memory_space<hbm>> -> memref<10240x128xf32, #tpu.memory_space<hbm>>
      tpu.wait_indirect_dma semaphore(%arg15 : memref<!tpu.dma_semaphore, #tpu.memory_space<semaphore_mem>>) src(%dma_wait3A_92 : memref<10240x128xf32, #tpu.memory_space<hbm>>) dst(%arg13 : memref<128x128xf32, #tpu.memory_space<vmem>>)
      %add3A_93 = arith.constant 1 : i32
      %add3A_94 = arith.addi %add3A_82, %add3A_93 : i32
      %mul3A_95 = arith.constant 128 : i32
      %mul3A_96 = arith.muli %add3A_94, %mul3A_95 : i32
      %add3A_97 = arith.addi %mul3A_2, %mul3A_96 : i32
      %dma_start3A_98 = tpu.memref_slice %arg3[%add3A_97] : memref<320000xi32, #tpu.memory_space<hbm>> -> memref<128xi32, #tpu.memory_space<hbm>>
      %dma_start3A_99 = tpu.memref_slice %arg3[%add3A_97] : memref<320000xi32, #tpu.memory_space<hbm>> -> memref<128xi32, #tpu.memory_space<hbm>>
      tpu.enqueue_dma source(%dma_start3A_99 : memref<128xi32, #tpu.memory_space<hbm>>) target(%arg7 : memref<128xi32, #tpu.memory_space<vmem>>) target_semaphore(%arg16 : memref<!tpu.dma_semaphore, #tpu.memory_space<semaphore_mem>>)
      %dma_start3A_100 = tpu.memref_slice %arg4[%add3A_97] : memref<320000xi32, #tpu.memory_space<hbm>> -> memref<128xi32, #tpu.memory_space<hbm>>
      %dma_start3A_101 = tpu.memref_slice %arg4[%add3A_97] : memref<320000xi32, #tpu.memory_space<hbm>> -> memref<128xi32, #tpu.memory_space<hbm>>
      tpu.enqueue_dma source(%dma_start3A_101 : memref<128xi32, #tpu.memory_space<hbm>>) target(%arg9 : memref<128xi32, #tpu.memory_space<vmem>>) target_semaphore(%arg16 : memref<!tpu.dma_semaphore, #tpu.memory_space<semaphore_mem>>)
      "tpu.region"() ({
        %run_scoped3A = tpu.sem_alloc : memref<!tpu.dma_semaphore, #tpu.memory_space<semaphore_mem>>
        %dma_start3A_102 = arith.constant 0 : i32
        %dma_start3A_103 = arith.constant 0 : i32
        %dma_start3A_104 = tpu.memref_slice %arg14[%dma_start3A_102, %dma_start3A_103] : memref<10240x128xf32, #tpu.memory_space<vmem_shared>> -> memref<10240x128xf32, #tpu.memory_space<vmem_shared>>
        tpu.enqueue_indirect_dma source(%arg13 : memref<128x128xf32, #tpu.memory_space<vmem>>) target(%dma_start3A_104 : memref<10240x128xf32, #tpu.memory_space<vmem_shared>>) offsets(%arg10 : memref<128xi32, #tpu.memory_space<vmem>>) semaphore(%run_scoped3A : memref<!tpu.dma_semaphore, #tpu.memory_space<semaphore_mem>>) {add = true}
        %dma_wait3A_105 = arith.constant 0 : i32
        %dma_wait3A_106 = arith.constant 0 : i32
        %dma_wait3A_107 = tpu.memref_slice %arg14[%dma_wait3A_105, %dma_wait3A_106] : memref<10240x128xf32, #tpu.memory_space<vmem_shared>> -> memref<10240x128xf32, #tpu.memory_space<vmem_shared>>
        tpu.wait_indirect_dma semaphore(%run_scoped3A : memref<!tpu.dma_semaphore, #tpu.memory_space<semaphore_mem>>) src(%arg13 : memref<128x128xf32, #tpu.memory_space<vmem>>) dst(%dma_wait3A_107 : memref<10240x128xf32, #tpu.memory_space<vmem_shared>>)
        tpu.yield
      }) : () -> ()
    }
    %scan3A_14 = arith.constant 38 : i32
    %dma_wait3A = tpu.memref_slice %arg3[%mul3A_2] : memref<320000xi32, #tpu.memory_space<hbm>> -> memref<128xi32, #tpu.memory_space<hbm>>
    %dma_wait3A_15 = tpu.memref_slice %arg3[%mul3A_2] : memref<320000xi32, #tpu.memory_space<hbm>> -> memref<128xi32, #tpu.memory_space<hbm>>
    tpu.wait_dma2 semaphore(%arg16 : memref<!tpu.dma_semaphore, #tpu.memory_space<semaphore_mem>>) src(%dma_wait3A_15 : memref<128xi32, #tpu.memory_space<hbm>>) dst(%arg7 : memref<128xi32, #tpu.memory_space<vmem>>)
    %dma_wait3A_16 = tpu.memref_slice %arg4[%mul3A_2] : memref<320000xi32, #tpu.memory_space<hbm>> -> memref<128xi32, #tpu.memory_space<hbm>>
    %dma_wait3A_17 = tpu.memref_slice %arg4[%mul3A_2] : memref<320000xi32, #tpu.memory_space<hbm>> -> memref<128xi32, #tpu.memory_space<hbm>>
    tpu.wait_dma2 semaphore(%arg16 : memref<!tpu.dma_semaphore, #tpu.memory_space<semaphore_mem>>) src(%dma_wait3A_17 : memref<128xi32, #tpu.memory_space<hbm>>) dst(%arg9 : memref<128xi32, #tpu.memory_space<vmem>>)
    %dma_start3A_18 = arith.constant 0 : i32
    %dma_start3A_19 = arith.constant 0 : i32
    %dma_start3A_20 = tpu.memref_slice %arg2[%dma_start3A_18, %dma_start3A_19] : memref<10240x128xf32, #tpu.memory_space<hbm>> -> memref<10240x128xf32, #tpu.memory_space<hbm>>
    tpu.enqueue_indirect_dma source(%dma_start3A_20 : memref<10240x128xf32, #tpu.memory_space<hbm>>) target(%arg13 : memref<128x128xf32, #tpu.memory_space<vmem>>) offsets(%arg7 : memref<128xi32, #tpu.memory_space<vmem>>) semaphore(%arg15 : memref<!tpu.dma_semaphore, #tpu.memory_space<semaphore_mem>>)
    %dma_wait3A_21 = arith.constant 0 : i32
    %dma_wait3A_22 = arith.constant 0 : i32
    %dma_wait3A_23 = tpu.memref_slice %arg2[%dma_wait3A_21, %dma_wait3A_22] : memref<10240x128xf32, #tpu.memory_space<hbm>> -> memref<10240x128xf32, #tpu.memory_space<hbm>>
    tpu.wait_indirect_dma semaphore(%arg15 : memref<!tpu.dma_semaphore, #tpu.memory_space<semaphore_mem>>) src(%dma_wait3A_23 : memref<10240x128xf32, #tpu.memory_space<hbm>>) dst(%arg13 : memref<128x128xf32, #tpu.memory_space<vmem>>)
    %add3A_24 = arith.constant 9856 : i32
    %add3A_25 = arith.addi %mul3A_2, %add3A_24 : i32
    %dma_start3A_26 = tpu.memref_slice %arg3[%add3A_25] : memref<320000xi32, #tpu.memory_space<hbm>> -> memref<128xi32, #tpu.memory_space<hbm>>
    %dma_start3A_27 = tpu.memref_slice %arg3[%add3A_25] : memref<320000xi32, #tpu.memory_space<hbm>> -> memref<128xi32, #tpu.memory_space<hbm>>
    tpu.enqueue_dma source(%dma_start3A_27 : memref<128xi32, #tpu.memory_space<hbm>>) target(%arg8 : memref<128xi32, #tpu.memory_space<vmem>>) target_semaphore(%arg17 : memref<!tpu.dma_semaphore, #tpu.memory_space<semaphore_mem>>)
    %dma_start3A_28 = tpu.memref_slice %arg4[%add3A_25] : memref<320000xi32, #tpu.memory_space<hbm>> -> memref<128xi32, #tpu.memory_space<hbm>>
    %dma_start3A_29 = tpu.memref_slice %arg4[%add3A_25] : memref<320000xi32, #tpu.memory_space<hbm>> -> memref<128xi32, #tpu.memory_space<hbm>>
    tpu.enqueue_dma source(%dma_start3A_29 : memref<128xi32, #tpu.memory_space<hbm>>) target(%arg10 : memref<128xi32, #tpu.memory_space<vmem>>) target_semaphore(%arg17 : memref<!tpu.dma_semaphore, #tpu.memory_space<semaphore_mem>>)
    "tpu.region"() ({
      %run_scoped3A = tpu.sem_alloc : memref<!tpu.dma_semaphore, #tpu.memory_space<semaphore_mem>>
      %dma_start3A_59 = arith.constant 0 : i32
      %dma_start3A_60 = arith.constant 0 : i32
      %dma_start3A_61 = tpu.memref_slice %arg14[%dma_start3A_59, %dma_start3A_60] : memref<10240x128xf32, #tpu.memory_space<vmem_shared>> -> memref<10240x128xf32, #tpu.memory_space<vmem_shared>>
      tpu.enqueue_indirect_dma source(%arg13 : memref<128x128xf32, #tpu.memory_space<vmem>>) target(%dma_start3A_61 : memref<10240x128xf32, #tpu.memory_space<vmem_shared>>) offsets(%arg9 : memref<128xi32, #tpu.memory_space<vmem>>) semaphore(%run_scoped3A : memref<!tpu.dma_semaphore, #tpu.memory_space<semaphore_mem>>) {add = true}
      %dma_wait3A_62 = arith.constant 0 : i32
      %dma_wait3A_63 = arith.constant 0 : i32
      %dma_wait3A_64 = tpu.memref_slice %arg14[%dma_wait3A_62, %dma_wait3A_63] : memref<10240x128xf32, #tpu.memory_space<vmem_shared>> -> memref<10240x128xf32, #tpu.memory_space<vmem_shared>>
      tpu.wait_indirect_dma semaphore(%run_scoped3A : memref<!tpu.dma_semaphore, #tpu.memory_space<semaphore_mem>>) src(%arg13 : memref<128x128xf32, #tpu.memory_space<vmem>>) dst(%dma_wait3A_64 : memref<10240x128xf32, #tpu.memory_space<vmem_shared>>)
      tpu.yield
    }) : () -> ()
    %dma_wait3A_30 = tpu.memref_slice %arg3[%mul3A_2] : memref<320000xi32, #tpu.memory_space<hbm>> -> memref<128xi32, #tpu.memory_space<hbm>>
    %dma_wait3A_31 = tpu.memref_slice %arg3[%mul3A_2] : memref<320000xi32, #tpu.memory_space<hbm>> -> memref<128xi32, #tpu.memory_space<hbm>>
    tpu.wait_dma2 semaphore(%arg17 : memref<!tpu.dma_semaphore, #tpu.memory_space<semaphore_mem>>) src(%dma_wait3A_31 : memref<128xi32, #tpu.memory_space<hbm>>) dst(%arg8 : memref<128xi32, #tpu.memory_space<vmem>>)
    %dma_wait3A_32 = tpu.memref_slice %arg4[%mul3A_2] : memref<320000xi32, #tpu.memory_space<hbm>> -> memref<128xi32, #tpu.memory_space<hbm>>
    %dma_wait3A_33 = tpu.memref_slice %arg4[%mul3A_2] : memref<320000xi32, #tpu.memory_space<hbm>> -> memref<128xi32, #tpu.memory_space<hbm>>
    tpu.wait_dma2 semaphore(%arg17 : memref<!tpu.dma_semaphore, #tpu.memory_space<semaphore_mem>>) src(%dma_wait3A_33 : memref<128xi32, #tpu.memory_space<hbm>>) dst(%arg10 : memref<128xi32, #tpu.memory_space<vmem>>)
    %dma_start3A_34 = arith.constant 0 : i32
    %dma_start3A_35 = arith.constant 0 : i32
    %dma_start3A_36 = tpu.memref_slice %arg2[%dma_start3A_34, %dma_start3A_35] : memref<10240x128xf32, #tpu.memory_space<hbm>> -> memref<10240x128xf32, #tpu.memory_space<hbm>>
    tpu.enqueue_indirect_dma source(%dma_start3A_36 : memref<10240x128xf32, #tpu.memory_space<hbm>>) target(%arg13 : memref<128x128xf32, #tpu.memory_space<vmem>>) offsets(%arg8 : memref<128xi32, #tpu.memory_space<vmem>>) semaphore(%arg15 : memref<!tpu.dma_semaphore, #tpu.memory_space<semaphore_mem>>)
    %dma_wait3A_37 = arith.constant 0 : i32
    %dma_wait3A_38 = arith.constant 0 : i32
    %dma_wait3A_39 = tpu.memref_slice %arg2[%dma_wait3A_37, %dma_wait3A_38] : memref<10240x128xf32, #tpu.memory_space<hbm>> -> memref<10240x128xf32, #tpu.memory_space<hbm>>
    tpu.wait_indirect_dma semaphore(%arg15 : memref<!tpu.dma_semaphore, #tpu.memory_space<semaphore_mem>>) src(%dma_wait3A_39 : memref<10240x128xf32, #tpu.memory_space<hbm>>) dst(%arg13 : memref<128x128xf32, #tpu.memory_space<vmem>>)
    "tpu.region"() ({
      %run_scoped3A = tpu.sem_alloc : memref<!tpu.dma_semaphore, #tpu.memory_space<semaphore_mem>>
      %dma_start3A_59 = arith.constant 0 : i32
      %dma_start3A_60 = arith.constant 0 : i32
      %dma_start3A_61 = tpu.memref_slice %arg14[%dma_start3A_59, %dma_start3A_60] : memref<10240x128xf32, #tpu.memory_space<vmem_shared>> -> memref<10240x128xf32, #tpu.memory_space<vmem_shared>>
      tpu.enqueue_indirect_dma source(%arg13 : memref<128x128xf32, #tpu.memory_space<vmem>>) target(%dma_start3A_61 : memref<10240x128xf32, #tpu.memory_space<vmem_shared>>) offsets(%arg10 : memref<128xi32, #tpu.memory_space<vmem>>) semaphore(%run_scoped3A : memref<!tpu.dma_semaphore, #tpu.memory_space<semaphore_mem>>) {add = true}
      %dma_wait3A_62 = arith.constant 0 : i32
      %dma_wait3A_63 = arith.constant 0 : i32
      %dma_wait3A_64 = tpu.memref_slice %arg14[%dma_wait3A_62, %dma_wait3A_63] : memref<10240x128xf32, #tpu.memory_space<vmem_shared>> -> memref<10240x128xf32, #tpu.memory_space<vmem_shared>>
      tpu.wait_indirect_dma semaphore(%run_scoped3A : memref<!tpu.dma_semaphore, #tpu.memory_space<semaphore_mem>>) src(%arg13 : memref<128x128xf32, #tpu.memory_space<vmem>>) dst(%dma_wait3A_64 : memref<10240x128xf32, #tpu.memory_space<vmem_shared>>)
      tpu.yield
    }) : () -> ()
    %add3A_40 = arith.constant 9984 : i32
    %add3A_41 = arith.addi %mul3A_2, %add3A_40 : i32
    "tpu.region"() ({
      %run_scoped3A = tpu.sem_alloc : memref<!tpu.dma_semaphore, #tpu.memory_space<semaphore_mem>>
      %dma_start3A_59 = tpu.memref_slice %arg3[%add3A_41] : memref<320000xi32, #tpu.memory_space<hbm>> -> memref<16xi32, #tpu.memory_space<hbm>>
      %dma_start3A_60 = tpu.memref_slice %arg3[%add3A_41] : memref<320000xi32, #tpu.memory_space<hbm>> -> memref<16xi32, #tpu.memory_space<hbm>>
      tpu.enqueue_dma source(%dma_start3A_60 : memref<16xi32, #tpu.memory_space<hbm>>) target(%arg11 : memref<16xi32, #tpu.memory_space<vmem>>) target_semaphore(%run_scoped3A : memref<!tpu.dma_semaphore, #tpu.memory_space<semaphore_mem>>)
      %dma_wait3A_61 = tpu.memref_slice %arg3[%add3A_41] : memref<320000xi32, #tpu.memory_space<hbm>> -> memref<16xi32, #tpu.memory_space<hbm>>
      %dma_wait3A_62 = tpu.memref_slice %arg3[%add3A_41] : memref<320000xi32, #tpu.memory_space<hbm>> -> memref<16xi32, #tpu.memory_space<hbm>>
      tpu.wait_dma2 semaphore(%run_scoped3A : memref<!tpu.dma_semaphore, #tpu.memory_space<semaphore_mem>>) src(%dma_wait3A_62 : memref<16xi32, #tpu.memory_space<hbm>>) dst(%arg11 : memref<16xi32, #tpu.memory_space<vmem>>)
      tpu.yield
    }) : () -> ()
    "tpu.region"() ({
      %run_scoped3A = tpu.sem_alloc : memref<!tpu.dma_semaphore, #tpu.memory_space<semaphore_mem>>
      %dma_start3A_59 = tpu.memref_slice %arg4[%add3A_41] : memref<320000xi32, #tpu.memory_space<hbm>> -> memref<16xi32, #tpu.memory_space<hbm>>
      %dma_start3A_60 = tpu.memref_slice %arg4[%add3A_41] : memref<320000xi32, #tpu.memory_space<hbm>> -> memref<16xi32, #tpu.memory_space<hbm>>
      tpu.enqueue_dma source(%dma_start3A_60 : memref<16xi32, #tpu.memory_space<hbm>>) target(%arg12 : memref<16xi32, #tpu.memory_space<vmem>>) target_semaphore(%run_scoped3A : memref<!tpu.dma_semaphore, #tpu.memory_space<semaphore_mem>>)
      %dma_wait3A_61 = tpu.memref_slice %arg4[%add3A_41] : memref<320000xi32, #tpu.memory_space<hbm>> -> memref<16xi32, #tpu.memory_space<hbm>>
      %dma_wait3A_62 = tpu.memref_slice %arg4[%add3A_41] : memref<320000xi32, #tpu.memory_space<hbm>> -> memref<16xi32, #tpu.memory_space<hbm>>
      tpu.wait_dma2 semaphore(%run_scoped3A : memref<!tpu.dma_semaphore, #tpu.memory_space<semaphore_mem>>) src(%dma_wait3A_62 : memref<16xi32, #tpu.memory_space<hbm>>) dst(%arg12 : memref<16xi32, #tpu.memory_space<vmem>>)
      tpu.yield
    }) : () -> ()
    %dma_start3A_42 = arith.constant 0 : i32
    %dma_start3A_43 = arith.constant 0 : i32
    %dma_start3A_44 = tpu.memref_slice %arg13[%dma_start3A_42, %dma_start3A_43] : memref<128x128xf32, #tpu.memory_space<vmem>> -> memref<16x128xf32, #tpu.memory_space<vmem>>
    %dma_start3A_45 = arith.constant 0 : i32
    %dma_start3A_46 = arith.constant 0 : i32
    %dma_start3A_47 = tpu.memref_slice %arg2[%dma_start3A_45, %dma_start3A_46] : memref<10240x128xf32, #tpu.memory_space<hbm>> -> memref<10240x128xf32, #tpu.memory_space<hbm>>
    tpu.enqueue_indirect_dma source(%dma_start3A_47 : memref<10240x128xf32, #tpu.memory_space<hbm>>) target(%dma_start3A_44 : memref<16x128xf32, #tpu.memory_space<vmem>>) offsets(%arg11 : memref<16xi32, #tpu.memory_space<vmem>>) semaphore(%arg15 : memref<!tpu.dma_semaphore, #tpu.memory_space<semaphore_mem>>)
    %dma_wait3A_48 = arith.constant 0 : i32
    %dma_wait3A_49 = arith.constant 0 : i32
    %dma_wait3A_50 = tpu.memref_slice %arg13[%dma_wait3A_48, %dma_wait3A_49] : memref<128x128xf32, #tpu.memory_space<vmem>> -> memref<16x128xf32, #tpu.memory_space<vmem>>
    %dma_wait3A_51 = arith.constant 0 : i32
    %dma_wait3A_52 = arith.constant 0 : i32
    %dma_wait3A_53 = tpu.memref_slice %arg2[%dma_wait3A_51, %dma_wait3A_52] : memref<10240x128xf32, #tpu.memory_space<hbm>> -> memref<10240x128xf32, #tpu.memory_space<hbm>>
    tpu.wait_indirect_dma semaphore(%arg15 : memref<!tpu.dma_semaphore, #tpu.memory_space<semaphore_mem>>) src(%dma_wait3A_53 : memref<10240x128xf32, #tpu.memory_space<hbm>>) dst(%dma_wait3A_50 : memref<16x128xf32, #tpu.memory_space<vmem>>)
    "tpu.region"() ({
      %run_scoped3A = tpu.sem_alloc : memref<!tpu.dma_semaphore, #tpu.memory_space<semaphore_mem>>
      %dma_start3A_59 = arith.constant 0 : i32
      %dma_start3A_60 = arith.constant 0 : i32
      %dma_start3A_61 = tpu.memref_slice %arg13[%dma_start3A_59, %dma_start3A_60] : memref<128x128xf32, #tpu.memory_space<vmem>> -> memref<16x128xf32, #tpu.memory_space<vmem>>
      %dma_start3A_62 = arith.constant 0 : i32
      %dma_start3A_63 = arith.constant 0 : i32
      %dma_start3A_64 = tpu.memref_slice %arg14[%dma_start3A_62, %dma_start3A_63] : memref<10240x128xf32, #tpu.memory_space<vmem_shared>> -> memref<10240x128xf32, #tpu.memory_space<vmem_shared>>
      tpu.enqueue_indirect_dma source(%dma_start3A_61 : memref<16x128xf32, #tpu.memory_space<vmem>>) target(%dma_start3A_64 : memref<10240x128xf32, #tpu.memory_space<vmem_shared>>) offsets(%arg12 : memref<16xi32, #tpu.memory_space<vmem>>) semaphore(%run_scoped3A : memref<!tpu.dma_semaphore, #tpu.memory_space<semaphore_mem>>) {add = true}
      %dma_wait3A_65 = arith.constant 0 : i32
      %dma_wait3A_66 = arith.constant 0 : i32
      %dma_wait3A_67 = tpu.memref_slice %arg13[%dma_wait3A_65, %dma_wait3A_66] : memref<128x128xf32, #tpu.memory_space<vmem>> -> memref<16x128xf32, #tpu.memory_space<vmem>>
      %dma_wait3A_68 = arith.constant 0 : i32
      %dma_wait3A_69 = arith.constant 0 : i32
      %dma_wait3A_70 = tpu.memref_slice %arg14[%dma_wait3A_68, %dma_wait3A_69] : memref<10240x128xf32, #tpu.memory_space<vmem_shared>> -> memref<10240x128xf32, #tpu.memory_space<vmem_shared>>
      tpu.wait_indirect_dma semaphore(%run_scoped3A : memref<!tpu.dma_semaphore, #tpu.memory_space<semaphore_mem>>) src(%dma_wait3A_67 : memref<16x128xf32, #tpu.memory_space<vmem>>) dst(%dma_wait3A_70 : memref<10240x128xf32, #tpu.memory_space<vmem_shared>>)
      tpu.yield
    }) : () -> ()
    %barrier3A_54 = arith.constant 0 : index
    tpu.barrier barrier_id(%barrier3A_54)
    %mul3A_55 = arith.constant 640 : i32
    %mul3A_56 = arith.muli %arg1, %mul3A_55 : i32
    %mul3A_57 = arith.constant 640 : i32
    %mul3A_58 = arith.muli %arg1, %mul3A_57 : i32
    "tpu.region"() ({
      %run_scoped3A = tpu.sem_alloc : memref<!tpu.dma_semaphore, #tpu.memory_space<semaphore_mem>>
      %dma_start3A_59 = arith.constant 0 : i32
      %dma_start3A_60 = tpu.memref_slice %arg6[%arg0, %mul3A_58, %dma_start3A_59] : memref<2x10240x128xf32, #tpu.memory_space<hbm>> -> memref<1x640x128xf32, #tpu.memory_space<hbm>>
      %dma_start3A_61 = tpu.memref_squeeze %dma_start3A_60 : memref<1x640x128xf32, #tpu.memory_space<hbm>> -> memref<640x128xf32, #tpu.memory_space<hbm>>
      %dma_start3A_62 = arith.constant 0 : i32
      %dma_start3A_63 = tpu.memref_slice %arg14[%mul3A_56, %dma_start3A_62] : memref<10240x128xf32, #tpu.memory_space<vmem_shared>> -> memref<640x128xf32, #tpu.memory_space<vmem_shared>>
      tpu.enqueue_dma source(%dma_start3A_63 : memref<640x128xf32, #tpu.memory_space<vmem_shared>>) target(%dma_start3A_61 : memref<640x128xf32, #tpu.memory_space<hbm>>) target_semaphore(%run_scoped3A : memref<!tpu.dma_semaphore, #tpu.memory_space<semaphore_mem>>)
      %dma_wait3A_64 = arith.constant 0 : i32
      %dma_wait3A_65 = tpu.memref_slice %arg6[%arg0, %mul3A_58, %dma_wait3A_64] : memref<2x10240x128xf32, #tpu.memory_space<hbm>> -> memref<1x640x128xf32, #tpu.memory_space<hbm>>
      %dma_wait3A_66 = tpu.memref_squeeze %dma_wait3A_65 : memref<1x640x128xf32, #tpu.memory_space<hbm>> -> memref<640x128xf32, #tpu.memory_space<hbm>>
      %dma_wait3A_67 = arith.constant 0 : i32
      %dma_wait3A_68 = tpu.memref_slice %arg14[%mul3A_56, %dma_wait3A_67] : memref<10240x128xf32, #tpu.memory_space<vmem_shared>> -> memref<640x128xf32, #tpu.memory_space<vmem_shared>>
      tpu.wait_dma2 semaphore(%run_scoped3A : memref<!tpu.dma_semaphore, #tpu.memory_space<semaphore_mem>>) src(%dma_wait3A_68 : memref<640x128xf32, #tpu.memory_space<vmem_shared>>) dst(%dma_wait3A_66 : memref<640x128xf32, #tpu.memory_space<hbm>>)
      tpu.yield
    }) : () -> ()
    return
  }
}

#map = affine_map<(d0, d1) -> (0, 0)>
#map1 = affine_map<(d0, d1) -> (0)>
#map2 = affine_map<(d0, d1) -> (0, 0, 0)>
module attributes {stable_mosaic.version = 14 : i64} {
  func.func @k(%arg0: i32, %arg1: i32, %arg2: memref<10240x128xf32, #tpu.memory_space<hbm>>, %arg3: memref<320000xi32, #tpu.memory_space<hbm>>, %arg4: memref<320000xi32, #tpu.memory_space<hbm>>, %arg5: memref<640x128xf32, #tpu.memory_space<hbm>>, %arg6: memref<2x10240x128xf32, #tpu.memory_space<hbm>>, %arg7: memref<128xi32, #tpu.memory_space<vmem>>, %arg8: memref<128xi32, #tpu.memory_space<vmem>>, %arg9: memref<128xi32, #tpu.memory_space<vmem>>, %arg10: memref<128xi32, #tpu.memory_space<vmem>>, %arg11: memref<16xi32, #tpu.memory_space<vmem>>, %arg12: memref<16xi32, #tpu.memory_space<vmem>>, %arg13: memref<128x128xf32, #tpu.memory_space<vmem>>, %arg14: memref<10240x128xf32, #tpu.memory_space<vmem_shared>>, %arg15: memref<!tpu.dma_semaphore, #tpu.memory_space<semaphore_mem>>, %arg16: memref<!tpu.dma_semaphore, #tpu.memory_space<semaphore_mem>>, %arg17: memref<!tpu.dma_semaphore, #tpu.memory_space<semaphore_mem>>) attributes {dimension_semantics = [#tpu.dimension_semantics<core_parallel>, #tpu.dimension_semantics<subcore_parallel>], iteration_bounds = array<i64: 2, 16>, scalar_prefetch = 0 : i64, scratch_operands = 11 : i64, tpu.core_type = #tpu.core_type<sc_vector_subcore>, window_params = [{transform_indices = #map}, {transform_indices = #map1}, {transform_indices = #map1}, {transform_indices = #map}, {transform_indices = #map2}]} {
    %mul3A = arith.constant 2 : i32
    %mul3A_0 = arith.muli %arg1, %mul3A : i32
    %add3A = arith.addi %mul3A_0, %arg0 : i32
    %mul3A_1 = arith.constant 10000 : i32
    %mul3A_2 = arith.muli %add3A, %mul3A_1 : i32
    %mul3A_3 = arith.constant 640 : i32
    %mul3A_4 = arith.muli %arg1, %mul3A_3 : i32
    "tpu.region"() ({
      %run_scoped3A = tpu.sem_alloc : memref<!tpu.dma_semaphore, #tpu.memory_space<semaphore_mem>>
      %dma_start3A_59 = arith.constant 0 : i32
      %dma_start3A_60 = tpu.memref_slice %arg14[%mul3A_4, %dma_start3A_59] : memref<10240x128xf32, #tpu.memory_space<vmem_shared>> -> memref<640x128xf32, #tpu.memory_space<vmem_shared>>
      tpu.enqueue_dma source(%arg5 : memref<640x128xf32, #tpu.memory_space<hbm>>) target(%dma_start3A_60 : memref<640x128xf32, #tpu.memory_space<vmem_shared>>) target_semaphore(%run_scoped3A : memref<!tpu.dma_semaphore, #tpu.memory_space<semaphore_mem>>)
      %dma_wait3A_61 = arith.constant 0 : i32
      %dma_wait3A_62 = tpu.memref_slice %arg14[%mul3A_4, %dma_wait3A_61] : memref<10240x128xf32, #tpu.memory_space<vmem_shared>> -> memref<640x128xf32, #tpu.memory_space<vmem_shared>>
      tpu.wait_dma2 semaphore(%run_scoped3A : memref<!tpu.dma_semaphore, #tpu.memory_space<semaphore_mem>>) src(%arg5 : memref<640x128xf32, #tpu.memory_space<hbm>>) dst(%dma_wait3A_62 : memref<640x128xf32, #tpu.memory_space<vmem_shared>>)
      tpu.yield
    }) : () -> ()
    %barrier3A = arith.constant 0 : index
    tpu.barrier barrier_id(%barrier3A)
    %add3A_5 = arith.constant 0 : i32
    %add3A_6 = arith.addi %mul3A_2, %add3A_5 : i32
    %dma_start3A = tpu.memref_slice %arg3[%add3A_6] : memref<320000xi32, #tpu.memory_space<hbm>> -> memref<128xi32, #tpu.memory_space<hbm>>
    %dma_start3A_7 = tpu.memref_slice %arg3[%add3A_6] : memref<320000xi32, #tpu.memory_space<hbm>> -> memref<128xi32, #tpu.memory_space<hbm>>
    tpu.enqueue_dma source(%dma_start3A_7 : memref<128xi32, #tpu.memory_space<hbm>>) target(%arg7 : memref<128xi32, #tpu.memory_space<vmem>>) target_semaphore(%arg16 : memref<!tpu.dma_semaphore, #tpu.memory_space<semaphore_mem>>)
    %dma_start3A_8 = tpu.memref_slice %arg4[%add3A_6] : memref<320000xi32, #tpu.memory_space<hbm>> -> memref<128xi32, #tpu.memory_space<hbm>>
    %dma_start3A_9 = tpu.memref_slice %arg4[%add3A_6] : memref<320000xi32, #tpu.memory_space<hbm>> -> memref<128xi32, #tpu.memory_space<hbm>>
    tpu.enqueue_dma source(%dma_start3A_9 : memref<128xi32, #tpu.memory_space<hbm>>) target(%arg9 : memref<128xi32, #tpu.memory_space<vmem>>) target_semaphore(%arg16 : memref<!tpu.dma_semaphore, #tpu.memory_space<semaphore_mem>>)
    %scan3A = arith.constant 0 : i32
    %scan3A_10 = arith.constant 0 : i32
    %scan3A_11 = arith.constant 38 : i32
    %scan3A_12 = arith.addi %scan3A_10, %scan3A_11 : i32
    %scan3A_13 = arith.constant 1 : i32
    scf.for %scan3A_59 = %scan3A_10 to %scan3A_12 step %scan3A_13  : i32 {
      %mul3A_60 = arith.constant 2 : i32
      %mul3A_61 = arith.muli %scan3A_59, %mul3A_60 : i32
      %dma_wait3A_62 = tpu.memref_slice %arg3[%mul3A_2] : memref<320000xi32, #tpu.memory_space<hbm>> -> memref<128xi32, #tpu.memory_space<hbm>>
      %dma_wait3A_63 = tpu.memref_slice %arg3[%mul3A_2] : memref<320000xi32, #tpu.memory_space<hbm>> -> memref<128xi32, #tpu.memory_space<hbm>>
      tpu.wait_dma2 semaphore(%arg16 : memref<!tpu.dma_semaphore, #tpu.memory_space<semaphore_mem>>) src(%dma_wait3A_63 : memref<128xi32, #tpu.memory_space<hbm>>) dst(%arg7 : memref<128xi32, #tpu.memory_space<vmem>>)
      %dma_wait3A_64 = tpu.memref_slice %arg4[%mul3A_2] : memref<320000xi32, #tpu.memory_space<hbm>> -> memref<128xi32, #tpu.memory_space<hbm>>
      %dma_wait3A_65 = tpu.memref_slice %arg4[%mul3A_2] : memref<320000xi32, #tpu.memory_space<hbm>> -> memref<128xi32, #tpu.memory_space<hbm>>
      tpu.wait_dma2 semaphore(%arg16 : memref<!tpu.dma_semaphore, #tpu.memory_space<semaphore_mem>>) src(%dma_wait3A_65 : memref<128xi32, #tpu.memory_space<hbm>>) dst(%arg9 : memref<128xi32, #tpu.memory_space<vmem>>)
      %dma_start3A_66 = arith.constant 0 : i32
      %dma_start3A_67 = arith.constant 0 : i32
      %dma_start3A_68 = tpu.memref_slice %arg2[%dma_start3A_66, %dma_start3A_67] : memref<10240x128xf32, #tpu.memory_space<hbm>> -> memref<10240x128xf32, #tpu.memory_space<hbm>>
      tpu.enqueue_indirect_dma source(%dma_start3A_68 : memref<10240x128xf32, #tpu.memory_space<hbm>>) target(%arg13 : memref<128x128xf32, #tpu.memory_space<vmem>>) offsets(%arg7 : memref<128xi32, #tpu.memory_space<vmem>>) semaphore(%arg15 : memref<!tpu.dma_semaphore, #tpu.memory_space<semaphore_mem>>)
      %dma_wait3A_69 = arith.constant 0 : i32
      %dma_wait3A_70 = arith.constant 0 : i32
      %dma_wait3A_71 = tpu.memref_slice %arg2[%dma_wait3A_69, %dma_wait3A_70] : memref<10240x128xf32, #tpu.memory_space<hbm>> -> memref<10240x128xf32, #tpu.memory_space<hbm>>
      tpu.wait_indirect_dma semaphore(%arg15 : memref<!tpu.dma_semaphore, #tpu.memory_space<semaphore_mem>>) src(%dma_wait3A_71 : memref<10240x128xf32, #tpu.memory_space<hbm>>) dst(%arg13 : memref<128x128xf32, #tpu.memory_space<vmem>>)
      %add3A_72 = arith.constant 1 : i32
      %add3A_73 = arith.addi %mul3A_61, %add3A_72 : i32
      %mul3A_74 = arith.constant 128 : i32
      %mul3A_75 = arith.muli %add3A_73, %mul3A_74 : i32
      %add3A_76 = arith.addi %mul3A_2, %mul3A_75 : i32
      %dma_start3A_77 = tpu.memref_slice %arg3[%add3A_76] : memref<320000xi32, #tpu.memory_space<hbm>> -> memref<128xi32, #tpu.memory_space<hbm>>
      %dma_start3A_78 = tpu.memref_slice %arg3[%add3A_76] : memref<320000xi32, #tpu.memory_space<hbm>> -> memref<128xi32, #tpu.memory_space<hbm>>
      tpu.enqueue_dma source(%dma_start3A_78 : memref<128xi32, #tpu.memory_space<hbm>>) target(%arg8 : memref<128xi32, #tpu.memory_space<vmem>>) target_semaphore(%arg17 : memref<!tpu.dma_semaphore, #tpu.memory_space<semaphore_mem>>)
      %dma_start3A_79 = tpu.memref_slice %arg4[%add3A_76] : memref<320000xi32, #tpu.memory_space<hbm>> -> memref<128xi32, #tpu.memory_space<hbm>>
      %dma_start3A_80 = tpu.memref_slice %arg4[%add3A_76] : memref<320000xi32, #tpu.memory_space<hbm>> -> memref<128xi32, #tpu.memory_space<hbm>>
      tpu.enqueue_dma source(%dma_start3A_80 : memref<128xi32, #tpu.memory_space<hbm>>) target(%arg10 : memref<128xi32, #tpu.memory_space<vmem>>) target_semaphore(%arg17 : memref<!tpu.dma_semaphore, #tpu.memory_space<semaphore_mem>>)
      "tpu.region"() ({
        %run_scoped3A = tpu.sem_alloc : memref<!tpu.dma_semaphore, #tpu.memory_space<semaphore_mem>>
        %dma_start3A_102 = arith.constant 0 : i32
        %dma_start3A_103 = arith.constant 0 : i32
        %dma_start3A_104 = tpu.memref_slice %arg14[%dma_start3A_102, %dma_start3A_103] : memref<10240x128xf32, #tpu.memory_space<vmem_shared>> -> memref<10240x128xf32, #tpu.memory_space<vmem_shared>>
        tpu.enqueue_indirect_dma source(%arg13 : memref<128x128xf32, #tpu.memory_space<vmem>>) target(%dma_start3A_104 : memref<10240x128xf32, #tpu.memory_space<vmem_shared>>) offsets(%arg9 : memref<128xi32, #tpu.memory_space<vmem>>) semaphore(%run_scoped3A : memref<!tpu.dma_semaphore, #tpu.memory_space<semaphore_mem>>) {add = true}
        %dma_wait3A_105 = arith.constant 0 : i32
        %dma_wait3A_106 = arith.constant 0 : i32
        %dma_wait3A_107 = tpu.memref_slice %arg14[%dma_wait3A_105, %dma_wait3A_106] : memref<10240x128xf32, #tpu.memory_space<vmem_shared>> -> memref<10240x128xf32, #tpu.memory_space<vmem_shared>>
        tpu.wait_indirect_dma semaphore(%run_scoped3A : memref<!tpu.dma_semaphore, #tpu.memory_space<semaphore_mem>>) src(%arg13 : memref<128x128xf32, #tpu.memory_space<vmem>>) dst(%dma_wait3A_107 : memref<10240x128xf32, #tpu.memory_space<vmem_shared>>)
        tpu.yield
      }) : () -> ()
      %add3A_81 = arith.constant 1 : i32
      %add3A_82 = arith.addi %mul3A_61, %add3A_81 : i32
      %dma_wait3A_83 = tpu.memref_slice %arg3[%mul3A_2] : memref<320000xi32, #tpu.memory_space<hbm>> -> memref<128xi32, #tpu.memory_space<hbm>>
      %dma_wait3A_84 = tpu.memref_slice %arg3[%mul3A_2] : memref<320000xi32, #tpu.memory_space<hbm>> -> memref<128xi32, #tpu.memory_space<hbm>>
      tpu.wait_dma2 semaphore(%arg17 : memref<!tpu.dma_semaphore, #tpu.memory_space<semaphore_mem>>) src(%dma_wait3A_84 : memref<128xi32, #tpu.memory_space<hbm>>) dst(%arg8 : memref<128xi32, #tpu.memory_space<vmem>>)
      %dma_wait3A_85 = tpu.memref_slice %arg4[%mul3A_2] : memref<320000xi32, #tpu.memory_space<hbm>> -> memref<128xi32, #tpu.memory_space<hbm>>
      %dma_wait3A_86 = tpu.memref_slice %arg4[%mul3A_2] : memref<320000xi32, #tpu.memory_space<hbm>> -> memref<128xi32, #tpu.memory_space<hbm>>
      tpu.wait_dma2 semaphore(%arg17 : memref<!tpu.dma_semaphore, #tpu.memory_space<semaphore_mem>>) src(%dma_wait3A_86 : memref<128xi32, #tpu.memory_space<hbm>>) dst(%arg10 : memref<128xi32, #tpu.memory_space<vmem>>)
      %dma_start3A_87 = arith.constant 0 : i32
      %dma_start3A_88 = arith.constant 0 : i32
      %dma_start3A_89 = tpu.memref_slice %arg2[%dma_start3A_87, %dma_start3A_88] : memref<10240x128xf32, #tpu.memory_space<hbm>> -> memref<10240x128xf32, #tpu.memory_space<hbm>>
      tpu.enqueue_indirect_dma source(%dma_start3A_89 : memref<10240x128xf32, #tpu.memory_space<hbm>>) target(%arg13 : memref<128x128xf32, #tpu.memory_space<vmem>>) offsets(%arg8 : memref<128xi32, #tpu.memory_space<vmem>>) semaphore(%arg15 : memref<!tpu.dma_semaphore, #tpu.memory_space<semaphore_mem>>)
      %dma_wait3A_90 = arith.constant 0 : i32
      %dma_wait3A_91 = arith.constant 0 : i32
      %dma_wait3A_92 = tpu.memref_slice %arg2[%dma_wait3A_90, %dma_wait3A_91] : memref<10240x128xf32, #tpu.memory_space<hbm>> -> memref<10240x128xf32, #tpu.memory_space<hbm>>
      tpu.wait_indirect_dma semaphore(%arg15 : memref<!tpu.dma_semaphore, #tpu.memory_space<semaphore_mem>>) src(%dma_wait3A_92 : memref<10240x128xf32, #tpu.memory_space<hbm>>) dst(%arg13 : memref<128x128xf32, #tpu.memory_space<vmem>>)
      %add3A_93 = arith.constant 1 : i32
      %add3A_94 = arith.addi %add3A_82, %add3A_93 : i32
      %mul3A_95 = arith.constant 128 : i32
      %mul3A_96 = arith.muli %add3A_94, %mul3A_95 : i32
      %add3A_97 = arith.addi %mul3A_2, %mul3A_96 : i32
      %dma_start3A_98 = tpu.memref_slice %arg3[%add3A_97] : memref<320000xi32, #tpu.memory_space<hbm>> -> memref<128xi32, #tpu.memory_space<hbm>>
      %dma_start3A_99 = tpu.memref_slice %arg3[%add3A_97] : memref<320000xi32, #tpu.memory_space<hbm>> -> memref<128xi32, #tpu.memory_space<hbm>>
      tpu.enqueue_dma source(%dma_start3A_99 : memref<128xi32, #tpu.memory_space<hbm>>) target(%arg7 : memref<128xi32, #tpu.memory_space<vmem>>) target_semaphore(%arg16 : memref<!tpu.dma_semaphore, #tpu.memory_space<semaphore_mem>>)
      %dma_start3A_100 = tpu.memref_slice %arg4[%add3A_97] : memref<320000xi32, #tpu.memory_space<hbm>> -> memref<128xi32, #tpu.memory_space<hbm>>
      %dma_start3A_101 = tpu.memref_slice %arg4[%add3A_97] : memref<320000xi32, #tpu.memory_space<hbm>> -> memref<128xi32, #tpu.memory_space<hbm>>
      tpu.enqueue_dma source(%dma_start3A_101 : memref<128xi32, #tpu.memory_space<hbm>>) target(%arg9 : memref<128xi32, #tpu.memory_space<vmem>>) target_semaphore(%arg16 : memref<!tpu.dma_semaphore, #tpu.memory_space<semaphore_mem>>)
      "tpu.region"() ({
        %run_scoped3A = tpu.sem_alloc : memref<!tpu.dma_semaphore, #tpu.memory_space<semaphore_mem>>
        %dma_start3A_102 = arith.constant 0 : i32
        %dma_start3A_103 = arith.constant 0 : i32
        %dma_start3A_104 = tpu.memref_slice %arg14[%dma_start3A_102, %dma_start3A_103] : memref<10240x128xf32, #tpu.memory_space<vmem_shared>> -> memref<10240x128xf32, #tpu.memory_space<vmem_shared>>
        tpu.enqueue_indirect_dma source(%arg13 : memref<128x128xf32, #tpu.memory_space<vmem>>) target(%dma_start3A_104 : memref<10240x128xf32, #tpu.memory_space<vmem_shared>>) offsets(%arg10 : memref<128xi32, #tpu.memory_space<vmem>>) semaphore(%run_scoped3A : memref<!tpu.dma_semaphore, #tpu.memory_space<semaphore_mem>>) {add = true}
        %dma_wait3A_105 = arith.constant 0 : i32
        %dma_wait3A_106 = arith.constant 0 : i32
        %dma_wait3A_107 = tpu.memref_slice %arg14[%dma_wait3A_105, %dma_wait3A_106] : memref<10240x128xf32, #tpu.memory_space<vmem_shared>> -> memref<10240x128xf32, #tpu.memory_space<vmem_shared>>
        tpu.wait_indirect_dma semaphore(%run_scoped3A : memref<!tpu.dma_semaphore, #tpu.memory_space<semaphore_mem>>) src(%arg13 : memref<128x128xf32, #tpu.memory_space<vmem>>) dst(%dma_wait3A_107 : memref<10240x128xf32, #tpu.memory_space<vmem_shared>>)
        tpu.yield
      }) : () -> ()
    }
    %scan3A_14 = arith.constant 38 : i32
    %dma_wait3A = tpu.memref_slice %arg3[%mul3A_2] : memref<320000xi32, #tpu.memory_space<hbm>> -> memref<128xi32, #tpu.memory_space<hbm>>
    %dma_wait3A_15 = tpu.memref_slice %arg3[%mul3A_2] : memref<320000xi32, #tpu.memory_space<hbm>> -> memref<128xi32, #tpu.memory_space<hbm>>
    tpu.wait_dma2 semaphore(%arg16 : memref<!tpu.dma_semaphore, #tpu.memory_space<semaphore_mem>>) src(%dma_wait3A_15 : memref<128xi32, #tpu.memory_space<hbm>>) dst(%arg7 : memref<128xi32, #tpu.memory_space<vmem>>)
    %dma_wait3A_16 = tpu.memref_slice %arg4[%mul3A_2] : memref<320000xi32, #tpu.memory_space<hbm>> -> memref<128xi32, #tpu.memory_space<hbm>>
    %dma_wait3A_17 = tpu.memref_slice %arg4[%mul3A_2] : memref<320000xi32, #tpu.memory_space<hbm>> -> memref<128xi32, #tpu.memory_space<hbm>>
    tpu.wait_dma2 semaphore(%arg16 : memref<!tpu.dma_semaphore, #tpu.memory_space<semaphore_mem>>) src(%dma_wait3A_17 : memref<128xi32, #tpu.memory_space<hbm>>) dst(%arg9 : memref<128xi32, #tpu.memory_space<vmem>>)
    %dma_start3A_18 = arith.constant 0 : i32
    %dma_start3A_19 = arith.constant 0 : i32
    %dma_start3A_20 = tpu.memref_slice %arg2[%dma_start3A_18, %dma_start3A_19] : memref<10240x128xf32, #tpu.memory_space<hbm>> -> memref<10240x128xf32, #tpu.memory_space<hbm>>
    tpu.enqueue_indirect_dma source(%dma_start3A_20 : memref<10240x128xf32, #tpu.memory_space<hbm>>) target(%arg13 : memref<128x128xf32, #tpu.memory_space<vmem>>) offsets(%arg7 : memref<128xi32, #tpu.memory_space<vmem>>) semaphore(%arg15 : memref<!tpu.dma_semaphore, #tpu.memory_space<semaphore_mem>>)
    %dma_wait3A_21 = arith.constant 0 : i32
    %dma_wait3A_22 = arith.constant 0 : i32
    %dma_wait3A_23 = tpu.memref_slice %arg2[%dma_wait3A_21, %dma_wait3A_22] : memref<10240x128xf32, #tpu.memory_space<hbm>> -> memref<10240x128xf32, #tpu.memory_space<hbm>>
    tpu.wait_indirect_dma semaphore(%arg15 : memref<!tpu.dma_semaphore, #tpu.memory_space<semaphore_mem>>) src(%dma_wait3A_23 : memref<10240x128xf32, #tpu.memory_space<hbm>>) dst(%arg13 : memref<128x128xf32, #tpu.memory_space<vmem>>)
    %add3A_24 = arith.constant 9856 : i32
    %add3A_25 = arith.addi %mul3A_2, %add3A_24 : i32
    %dma_start3A_26 = tpu.memref_slice %arg3[%add3A_25] : memref<320000xi32, #tpu.memory_space<hbm>> -> memref<128xi32, #tpu.memory_space<hbm>>
    %dma_start3A_27 = tpu.memref_slice %arg3[%add3A_25] : memref<320000xi32, #tpu.memory_space<hbm>> -> memref<128xi32, #tpu.memory_space<hbm>>
    tpu.enqueue_dma source(%dma_start3A_27 : memref<128xi32, #tpu.memory_space<hbm>>) target(%arg8 : memref<128xi32, #tpu.memory_space<vmem>>) target_semaphore(%arg17 : memref<!tpu.dma_semaphore, #tpu.memory_space<semaphore_mem>>)
    %dma_start3A_28 = tpu.memref_slice %arg4[%add3A_25] : memref<320000xi32, #tpu.memory_space<hbm>> -> memref<128xi32, #tpu.memory_space<hbm>>
    %dma_start3A_29 = tpu.memref_slice %arg4[%add3A_25] : memref<320000xi32, #tpu.memory_space<hbm>> -> memref<128xi32, #tpu.memory_space<hbm>>
    tpu.enqueue_dma source(%dma_start3A_29 : memref<128xi32, #tpu.memory_space<hbm>>) target(%arg10 : memref<128xi32, #tpu.memory_space<vmem>>) target_semaphore(%arg17 : memref<!tpu.dma_semaphore, #tpu.memory_space<semaphore_mem>>)
    "tpu.region"() ({
      %run_scoped3A = tpu.sem_alloc : memref<!tpu.dma_semaphore, #tpu.memory_space<semaphore_mem>>
      %dma_start3A_59 = arith.constant 0 : i32
      %dma_start3A_60 = arith.constant 0 : i32
      %dma_start3A_61 = tpu.memref_slice %arg14[%dma_start3A_59, %dma_start3A_60] : memref<10240x128xf32, #tpu.memory_space<vmem_shared>> -> memref<10240x128xf32, #tpu.memory_space<vmem_shared>>
      tpu.enqueue_indirect_dma source(%arg13 : memref<128x128xf32, #tpu.memory_space<vmem>>) target(%dma_start3A_61 : memref<10240x128xf32, #tpu.memory_space<vmem_shared>>) offsets(%arg9 : memref<128xi32, #tpu.memory_space<vmem>>) semaphore(%run_scoped3A : memref<!tpu.dma_semaphore, #tpu.memory_space<semaphore_mem>>) {add = true}
      %dma_wait3A_62 = arith.constant 0 : i32
      %dma_wait3A_63 = arith.constant 0 : i32
      %dma_wait3A_64 = tpu.memref_slice %arg14[%dma_wait3A_62, %dma_wait3A_63] : memref<10240x128xf32, #tpu.memory_space<vmem_shared>> -> memref<10240x128xf32, #tpu.memory_space<vmem_shared>>
      tpu.wait_indirect_dma semaphore(%run_scoped3A : memref<!tpu.dma_semaphore, #tpu.memory_space<semaphore_mem>>) src(%arg13 : memref<128x128xf32, #tpu.memory_space<vmem>>) dst(%dma_wait3A_64 : memref<10240x128xf32, #tpu.memory_space<vmem_shared>>)
      tpu.yield
    }) : () -> ()
    %dma_wait3A_30 = tpu.memref_slice %arg3[%mul3A_2] : memref<320000xi32, #tpu.memory_space<hbm>> -> memref<128xi32, #tpu.memory_space<hbm>>
    %dma_wait3A_31 = tpu.memref_slice %arg3[%mul3A_2] : memref<320000xi32, #tpu.memory_space<hbm>> -> memref<128xi32, #tpu.memory_space<hbm>>
    tpu.wait_dma2 semaphore(%arg17 : memref<!tpu.dma_semaphore, #tpu.memory_space<semaphore_mem>>) src(%dma_wait3A_31 : memref<128xi32, #tpu.memory_space<hbm>>) dst(%arg8 : memref<128xi32, #tpu.memory_space<vmem>>)
    %dma_wait3A_32 = tpu.memref_slice %arg4[%mul3A_2] : memref<320000xi32, #tpu.memory_space<hbm>> -> memref<128xi32, #tpu.memory_space<hbm>>
    %dma_wait3A_33 = tpu.memref_slice %arg4[%mul3A_2] : memref<320000xi32, #tpu.memory_space<hbm>> -> memref<128xi32, #tpu.memory_space<hbm>>
    tpu.wait_dma2 semaphore(%arg17 : memref<!tpu.dma_semaphore, #tpu.memory_space<semaphore_mem>>) src(%dma_wait3A_33 : memref<128xi32, #tpu.memory_space<hbm>>) dst(%arg10 : memref<128xi32, #tpu.memory_space<vmem>>)
    %dma_start3A_34 = arith.constant 0 : i32
    %dma_start3A_35 = arith.constant 0 : i32
    %dma_start3A_36 = tpu.memref_slice %arg2[%dma_start3A_34, %dma_start3A_35] : memref<10240x128xf32, #tpu.memory_space<hbm>> -> memref<10240x128xf32, #tpu.memory_space<hbm>>
    tpu.enqueue_indirect_dma source(%dma_start3A_36 : memref<10240x128xf32, #tpu.memory_space<hbm>>) target(%arg13 : memref<128x128xf32, #tpu.memory_space<vmem>>) offsets(%arg8 : memref<128xi32, #tpu.memory_space<vmem>>) semaphore(%arg15 : memref<!tpu.dma_semaphore, #tpu.memory_space<semaphore_mem>>)
    %dma_wait3A_37 = arith.constant 0 : i32
    %dma_wait3A_38 = arith.constant 0 : i32
    %dma_wait3A_39 = tpu.memref_slice %arg2[%dma_wait3A_37, %dma_wait3A_38] : memref<10240x128xf32, #tpu.memory_space<hbm>> -> memref<10240x128xf32, #tpu.memory_space<hbm>>
    tpu.wait_indirect_dma semaphore(%arg15 : memref<!tpu.dma_semaphore, #tpu.memory_space<semaphore_mem>>) src(%dma_wait3A_39 : memref<10240x128xf32, #tpu.memory_space<hbm>>) dst(%arg13 : memref<128x128xf32, #tpu.memory_space<vmem>>)
    "tpu.region"() ({
      %run_scoped3A = tpu.sem_alloc : memref<!tpu.dma_semaphore, #tpu.memory_space<semaphore_mem>>
      %dma_start3A_59 = arith.constant 0 : i32
      %dma_start3A_60 = arith.constant 0 : i32
      %dma_start3A_61 = tpu.memref_slice %arg14[%dma_start3A_59, %dma_start3A_60] : memref<10240x128xf32, #tpu.memory_space<vmem_shared>> -> memref<10240x128xf32, #tpu.memory_space<vmem_shared>>
      tpu.enqueue_indirect_dma source(%arg13 : memref<128x128xf32, #tpu.memory_space<vmem>>) target(%dma_start3A_61 : memref<10240x128xf32, #tpu.memory_space<vmem_shared>>) offsets(%arg10 : memref<128xi32, #tpu.memory_space<vmem>>) semaphore(%run_scoped3A : memref<!tpu.dma_semaphore, #tpu.memory_space<semaphore_mem>>) {add = true}
      %dma_wait3A_62 = arith.constant 0 : i32
      %dma_wait3A_63 = arith.constant 0 : i32
      %dma_wait3A_64 = tpu.memref_slice %arg14[%dma_wait3A_62, %dma_wait3A_63] : memref<10240x128xf32, #tpu.memory_space<vmem_shared>> -> memref<10240x128xf32, #tpu.memory_space<vmem_shared>>
      tpu.wait_indirect_dma semaphore(%run_scoped3A : memref<!tpu.dma_semaphore, #tpu.memory_space<semaphore_mem>>) src(%arg13 : memref<128x128xf32, #tpu.memory_space<vmem>>) dst(%dma_wait3A_64 : memref<10240x128xf32, #tpu.memory_space<vmem_shared>>)
      tpu.yield
    }) : () -> ()
    %add3A_40 = arith.constant 9984 : i32
    %add3A_41 = arith.addi %mul3A_2, %add3A_40 : i32
    "tpu.region"() ({
      %run_scoped3A = tpu.sem_alloc : memref<!tpu.dma_semaphore, #tpu.memory_space<semaphore_mem>>
      %dma_start3A_59 = tpu.memref_slice %arg3[%add3A_41] : memref<320000xi32, #tpu.memory_space<hbm>> -> memref<16xi32, #tpu.memory_space<hbm>>
      %dma_start3A_60 = tpu.memref_slice %arg3[%add3A_41] : memref<320000xi32, #tpu.memory_space<hbm>> -> memref<16xi32, #tpu.memory_space<hbm>>
      tpu.enqueue_dma source(%dma_start3A_60 : memref<16xi32, #tpu.memory_space<hbm>>) target(%arg11 : memref<16xi32, #tpu.memory_space<vmem>>) target_semaphore(%run_scoped3A : memref<!tpu.dma_semaphore, #tpu.memory_space<semaphore_mem>>)
      %dma_wait3A_61 = tpu.memref_slice %arg3[%add3A_41] : memref<320000xi32, #tpu.memory_space<hbm>> -> memref<16xi32, #tpu.memory_space<hbm>>
      %dma_wait3A_62 = tpu.memref_slice %arg3[%add3A_41] : memref<320000xi32, #tpu.memory_space<hbm>> -> memref<16xi32, #tpu.memory_space<hbm>>
      tpu.wait_dma2 semaphore(%run_scoped3A : memref<!tpu.dma_semaphore, #tpu.memory_space<semaphore_mem>>) src(%dma_wait3A_62 : memref<16xi32, #tpu.memory_space<hbm>>) dst(%arg11 : memref<16xi32, #tpu.memory_space<vmem>>)
      tpu.yield
    }) : () -> ()
    "tpu.region"() ({
      %run_scoped3A = tpu.sem_alloc : memref<!tpu.dma_semaphore, #tpu.memory_space<semaphore_mem>>
      %dma_start3A_59 = tpu.memref_slice %arg4[%add3A_41] : memref<320000xi32, #tpu.memory_space<hbm>> -> memref<16xi32, #tpu.memory_space<hbm>>
      %dma_start3A_60 = tpu.memref_slice %arg4[%add3A_41] : memref<320000xi32, #tpu.memory_space<hbm>> -> memref<16xi32, #tpu.memory_space<hbm>>
      tpu.enqueue_dma source(%dma_start3A_60 : memref<16xi32, #tpu.memory_space<hbm>>) target(%arg12 : memref<16xi32, #tpu.memory_space<vmem>>) target_semaphore(%run_scoped3A : memref<!tpu.dma_semaphore, #tpu.memory_space<semaphore_mem>>)
      %dma_wait3A_61 = tpu.memref_slice %arg4[%add3A_41] : memref<320000xi32, #tpu.memory_space<hbm>> -> memref<16xi32, #tpu.memory_space<hbm>>
      %dma_wait3A_62 = tpu.memref_slice %arg4[%add3A_41] : memref<320000xi32, #tpu.memory_space<hbm>> -> memref<16xi32, #tpu.memory_space<hbm>>
      tpu.wait_dma2 semaphore(%run_scoped3A : memref<!tpu.dma_semaphore, #tpu.memory_space<semaphore_mem>>) src(%dma_wait3A_62 : memref<16xi32, #tpu.memory_space<hbm>>) dst(%arg12 : memref<16xi32, #tpu.memory_space<vmem>>)
      tpu.yield
    }) : () -> ()
    %dma_start3A_42 = arith.constant 0 : i32
    %dma_start3A_43 = arith.constant 0 : i32
    %dma_start3A_44 = tpu.memref_slice %arg13[%dma_start3A_42, %dma_start3A_43] : memref<128x128xf32, #tpu.memory_space<vmem>> -> memref<16x128xf32, #tpu.memory_space<vmem>>
    %dma_start3A_45 = arith.constant 0 : i32
    %dma_start3A_46 = arith.constant 0 : i32
    %dma_start3A_47 = tpu.memref_slice %arg2[%dma_start3A_45, %dma_start3A_46] : memref<10240x128xf32, #tpu.memory_space<hbm>> -> memref<10240x128xf32, #tpu.memory_space<hbm>>
    tpu.enqueue_indirect_dma source(%dma_start3A_47 : memref<10240x128xf32, #tpu.memory_space<hbm>>) target(%dma_start3A_44 : memref<16x128xf32, #tpu.memory_space<vmem>>) offsets(%arg11 : memref<16xi32, #tpu.memory_space<vmem>>) semaphore(%arg15 : memref<!tpu.dma_semaphore, #tpu.memory_space<semaphore_mem>>)
    %dma_wait3A_48 = arith.constant 0 : i32
    %dma_wait3A_49 = arith.constant 0 : i32
    %dma_wait3A_50 = tpu.memref_slice %arg13[%dma_wait3A_48, %dma_wait3A_49] : memref<128x128xf32, #tpu.memory_space<vmem>> -> memref<16x128xf32, #tpu.memory_space<vmem>>
    %dma_wait3A_51 = arith.constant 0 : i32
    %dma_wait3A_52 = arith.constant 0 : i32
    %dma_wait3A_53 = tpu.memref_slice %arg2[%dma_wait3A_51, %dma_wait3A_52] : memref<10240x128xf32, #tpu.memory_space<hbm>> -> memref<10240x128xf32, #tpu.memory_space<hbm>>
    tpu.wait_indirect_dma semaphore(%arg15 : memref<!tpu.dma_semaphore, #tpu.memory_space<semaphore_mem>>) src(%dma_wait3A_53 : memref<10240x128xf32, #tpu.memory_space<hbm>>) dst(%dma_wait3A_50 : memref<16x128xf32, #tpu.memory_space<vmem>>)
    "tpu.region"() ({
      %run_scoped3A = tpu.sem_alloc : memref<!tpu.dma_semaphore, #tpu.memory_space<semaphore_mem>>
      %dma_start3A_59 = arith.constant 0 : i32
      %dma_start3A_60 = arith.constant 0 : i32
      %dma_start3A_61 = tpu.memref_slice %arg13[%dma_start3A_59, %dma_start3A_60] : memref<128x128xf32, #tpu.memory_space<vmem>> -> memref<16x128xf32, #tpu.memory_space<vmem>>
      %dma_start3A_62 = arith.constant 0 : i32
      %dma_start3A_63 = arith.constant 0 : i32
      %dma_start3A_64 = tpu.memref_slice %arg14[%dma_start3A_62, %dma_start3A_63] : memref<10240x128xf32, #tpu.memory_space<vmem_shared>> -> memref<10240x128xf32, #tpu.memory_space<vmem_shared>>
      tpu.enqueue_indirect_dma source(%dma_start3A_61 : memref<16x128xf32, #tpu.memory_space<vmem>>) target(%dma_start3A_64 : memref<10240x128xf32, #tpu.memory_space<vmem_shared>>) offsets(%arg12 : memref<16xi32, #tpu.memory_space<vmem>>) semaphore(%run_scoped3A : memref<!tpu.dma_semaphore, #tpu.memory_space<semaphore_mem>>) {add = true}
      %dma_wait3A_65 = arith.constant 0 : i32
      %dma_wait3A_66 = arith.constant 0 : i32
      %dma_wait3A_67 = tpu.memref_slice %arg13[%dma_wait3A_65, %dma_wait3A_66] : memref<128x128xf32, #tpu.memory_space<vmem>> -> memref<16x128xf32, #tpu.memory_space<vmem>>
      %dma_wait3A_68 = arith.constant 0 : i32
      %dma_wait3A_69 = arith.constant 0 : i32
      %dma_wait3A_70 = tpu.memref_slice %arg14[%dma_wait3A_68, %dma_wait3A_69] : memref<10240x128xf32, #tpu.memory_space<vmem_shared>> -> memref<10240x128xf32, #tpu.memory_space<vmem_shared>>
      tpu.wait_indirect_dma semaphore(%run_scoped3A : memref<!tpu.dma_semaphore, #tpu.memory_space<semaphore_mem>>) src(%dma_wait3A_67 : memref<16x128xf32, #tpu.memory_space<vmem>>) dst(%dma_wait3A_70 : memref<10240x128xf32, #tpu.memory_space<vmem_shared>>)
      tpu.yield
    }) : () -> ()
    %barrier3A_54 = arith.constant 0 : index
    tpu.barrier barrier_id(%barrier3A_54)
    %mul3A_55 = arith.constant 640 : i32
    %mul3A_56 = arith.muli %arg1, %mul3A_55 : i32
    %mul3A_57 = arith.constant 640 : i32
    %mul3A_58 = arith.muli %arg1, %mul3A_57 : i32
    "tpu.region"() ({
      %run_scoped3A = tpu.sem_alloc : memref<!tpu.dma_semaphore, #tpu.memory_space<semaphore_mem>>
      %dma_start3A_59 = arith.constant 0 : i32
      %dma_start3A_60 = tpu.memref_slice %arg6[%arg0, %mul3A_58, %dma_start3A_59] : memref<2x10240x128xf32, #tpu.memory_space<hbm>> -> memref<1x640x128xf32, #tpu.memory_space<hbm>>
      %dma_start3A_61 = tpu.memref_squeeze %dma_start3A_60 : memref<1x640x128xf32, #tpu.memory_space<hbm>> -> memref<640x128xf32, #tpu.memory_space<hbm>>
      %dma_start3A_62 = arith.constant 0 : i32
      %dma_start3A_63 = tpu.memref_slice %arg14[%mul3A_56, %dma_start3A_62] : memref<10240x128xf32, #tpu.memory_space<vmem_shared>> -> memref<640x128xf32, #tpu.memory_space<vmem_shared>>
      tpu.enqueue_dma source(%dma_start3A_63 : memref<640x128xf32, #tpu.memory_space<vmem_shared>>) target(%dma_start3A_61 : memref<640x128xf32, #tpu.memory_space<hbm>>) target_semaphore(%run_scoped3A : memref<!tpu.dma_semaphore, #tpu.memory_space<semaphore_mem>>)
      %dma_wait3A_64 = arith.constant 0 : i32
      %dma_wait3A_65 = tpu.memref_slice %arg6[%arg0, %mul3A_58, %dma_wait3A_64] : memref<2x10240x128xf32, #tpu.memory_space<hbm>> -> memref<1x640x128xf32, #tpu.memory_space<hbm>>
      %dma_wait3A_66 = tpu.memref_squeeze %dma_wait3A_65 : memref<1x640x128xf32, #tpu.memory_space<hbm>> -> memref<640x128xf32, #tpu.memory_space<hbm>>
      %dma_wait3A_67 = arith.constant 0 : i32
      %dma_wait3A_68 = tpu.memref_slice %arg14[%mul3A_56, %dma_wait3A_67] : memref<10240x128xf32, #tpu.memory_space<vmem_shared>> -> memref<640x128xf32, #tpu.memory_space<vmem_shared>>
      tpu.wait_dma2 semaphore(%run_scoped3A : memref<!tpu.dma_semaphore, #tpu.memory_space<semaphore_mem>>) src(%dma_wait3A_68 : memref<640x128xf32, #tpu.memory_space<vmem_shared>>) dst(%dma_wait3A_66 : memref<640x128xf32, #tpu.memory_space<hbm>>)
      tpu.yield
    }) : () -> ()
    return
  }
}

module attributes {stable_mosaic.version = 14 : i64} {
  func.func @_first_body(%arg0: i32, %arg1: memref<2x2048x16xf32, #tpu.memory_space<vmem>>, %arg2: memref<2048x128xf32, #tpu.memory_space<vmem>>, %arg3: memref<128x128xf32, #tpu.memory_space<vmem>>, %arg4: memref<2048x128xf32, #tpu.memory_space<vmem>>) attributes {dimension_semantics = [#tpu.dimension_semantics<arbitrary>], iteration_bounds = array<i64: 5>, scalar_prefetch = 0 : i64, scratch_operands = 0 : i64, tpu.core_type = #tpu.core_type<tc>, window_params = [{transform_indices = @transform_0, window_bounds = array<i64: 2, 2048, 16>}, {transform_indices = @transform_1, window_bounds = array<i64: 2048, 128>}, {pipeline_mode = #tpu.pipeline_mode<synchronous>, transform_indices = @transform_2, window_bounds = array<i64: 128, 128>}, {transform_indices = @transform_3, window_bounds = array<i64: 2048, 128>}]} {
    %get3A = arith.constant 0 : index
    %get3A_0 = arith.constant 0 : index
    %get3A_1 = arith.constant 0 : index
    %get3A_2 = vector.load %arg1[%get3A, %get3A_0, %get3A_1] : memref<2x2048x16xf32, #tpu.memory_space<vmem>>, vector<2x2048x16xf32>
    %reduce_sum3A = arith.constant dense<0.000000e+00> : vector<2048xf32>
    %reduce_sum3A_3 = vector.multi_reduction <add>, %get3A_2, %reduce_sum3A [0, 2] : vector<2x2048x16xf32> to vector<2048xf32>
    %add3A = arith.constant 1.000000e+00 : f32
    %add3A_4 = vector.broadcast %add3A : f32 to vector<2048xf32>
    %add3A_5 = arith.addf %reduce_sum3A_3, %add3A_4 : vector<2048xf32>
    %rsqrt3A = math.rsqrt %add3A_5 : vector<2048xf32>
    %get3A_6 = arith.constant 0 : index
    %get3A_7 = arith.constant 0 : index
    %get3A_8 = vector.load %arg2[%get3A_6, %get3A_7] : memref<2048x128xf32, #tpu.memory_space<vmem>>, vector<2048x128xf32>
    %get3A_9 = arith.constant 0 : index
    %get3A_10 = arith.constant 0 : index
    %get3A_11 = vector.load %arg3[%get3A_9, %get3A_10] : memref<128x128xf32, #tpu.memory_space<vmem>>, vector<128x128xf32>
    %dot_general3A = arith.constant dense<0.000000e+00> : vector<2048x128xf32>
    %dot_general3A_12 = tpu.matmul %get3A_8, %get3A_11, %dot_general3A {dimension_numbers = #tpu.dot_dimension_numbers<[1], [0], [0], [1], [0, 0, 1, 1], [], []>, transpose_lhs_hint = false} : vector<2048x128xf32>, vector<128x128xf32>, vector<2048x128xf32> -> vector<2048x128xf32>
    %broadcast_in_dim3A = vector.shape_cast %rsqrt3A : vector<2048xf32> to vector<2048x1xf32>
    %mul3A = vector.broadcast %broadcast_in_dim3A : vector<2048x1xf32> to vector<2048x128xf32>
    %mul3A_13 = arith.mulf %dot_general3A_12, %mul3A : vector<2048x128xf32>
    %swap3A = arith.constant 0 : index
    %swap3A_14 = arith.constant 0 : index
    %swap3A_15 = vector.load %arg4[%swap3A, %swap3A_14] : memref<2048x128xf32, #tpu.memory_space<vmem>>, vector<2048x128xf32>
    tpu.vector_store %arg4[%swap3A, %swap3A_14], %mul3A_13 {strides = array<i32>} : memref<2048x128xf32, #tpu.memory_space<vmem>>, vector<2048x128xf32>,
    return
  }
  func.func @transform_0(%arg0: i32) -> (i32, i32, i32) {
    %c0_i32 = arith.constant 0 : i32
    %c0_i32_0 = arith.constant 0 : i32
    %c0_i32_1 = arith.constant 0 : i32
    return %c0_i32, %arg0, %c0_i32_0 : i32, i32, i32
  }
  func.func @transform_1(%arg0: i32) -> (i32, i32) {
    %c0_i32 = arith.constant 0 : i32
    %c0_i32_0 = arith.constant 0 : i32
    return %arg0, %c0_i32 : i32, i32
  }
  func.func @transform_2(%arg0: i32) -> (i32, i32) {
    %c0_i32 = arith.constant 0 : i32
    %c0_i32_0 = arith.constant 0 : i32
    %c0_i32_1 = arith.constant 0 : i32
    return %c0_i32, %c0_i32_0 : i32, i32
  }
  func.func @transform_3(%arg0: i32) -> (i32, i32) {
    %c0_i32 = arith.constant 0 : i32
    %c0_i32_0 = arith.constant 0 : i32
    return %arg0, %c0_i32 : i32, i32
  }
}

module attributes {stable_mosaic.version = 14 : i64} {
  func.func @_mid_body(%arg0: i32, %arg1: memref<2x2048x16xf32, #tpu.memory_space<vmem>>, %arg2: memref<2x2048x128xf32, #tpu.memory_space<vmem>>, %arg3: memref<2048x128xf32, #tpu.memory_space<vmem>>, %arg4: memref<128x128xf32, #tpu.memory_space<vmem>>, %arg5: memref<1x128xf32, #tpu.memory_space<vmem>>, %arg6: memref<2048x128xf32, #tpu.memory_space<vmem>>) attributes {dimension_semantics = [#tpu.dimension_semantics<arbitrary>], iteration_bounds = array<i64: 5>, scalar_prefetch = 0 : i64, scratch_operands = 0 : i64, tpu.core_type = #tpu.core_type<tc>, window_params = [{transform_indices = @transform_0, window_bounds = array<i64: 2, 2048, 16>}, {transform_indices = @transform_1, window_bounds = array<i64: 2, 2048, 128>}, {transform_indices = @transform_2, window_bounds = array<i64: 2048, 128>}, {pipeline_mode = #tpu.pipeline_mode<synchronous>, transform_indices = @transform_3, window_bounds = array<i64: 128, 128>}, {pipeline_mode = #tpu.pipeline_mode<synchronous>, transform_indices = @transform_4, window_bounds = array<i64: 1, 128>}, {transform_indices = @transform_5, window_bounds = array<i64: 2048, 128>}]} {
    %get3A = arith.constant 0 : index
    %get3A_0 = arith.constant 0 : index
    %get3A_1 = arith.constant 0 : index
    %get3A_2 = vector.load %arg1[%get3A, %get3A_0, %get3A_1] : memref<2x2048x16xf32, #tpu.memory_space<vmem>>, vector<2x2048x16xf32>
    %reduce_sum3A = arith.constant dense<0.000000e+00> : vector<2048xf32>
    %reduce_sum3A_3 = vector.multi_reduction <add>, %get3A_2, %reduce_sum3A [0, 2] : vector<2x2048x16xf32> to vector<2048xf32>
    %add3A = arith.constant 1.000000e+00 : f32
    %add3A_4 = vector.broadcast %add3A : f32 to vector<2048xf32>
    %add3A_5 = arith.addf %reduce_sum3A_3, %add3A_4 : vector<2048xf32>
    %rsqrt3A = math.rsqrt %add3A_5 : vector<2048xf32>
    %get3A_6 = arith.constant 0 : index
    %get3A_7 = arith.constant 0 : index
    %get3A_8 = arith.constant 0 : index
    %get3A_9 = vector.load %arg2[%get3A_6, %get3A_7, %get3A_8] : memref<2x2048x128xf32, #tpu.memory_space<vmem>>, vector<1x2048x128xf32>
    %get3A_10 = vector.shape_cast %get3A_9 : vector<1x2048x128xf32> to vector<2048x128xf32>
    %get3A_11 = arith.constant 1 : index
    %get3A_12 = arith.constant 0 : index
    %get3A_13 = arith.constant 0 : index
    %get3A_14 = vector.load %arg2[%get3A_11, %get3A_12, %get3A_13] : memref<2x2048x128xf32, #tpu.memory_space<vmem>>, vector<1x2048x128xf32>
    %get3A_15 = vector.shape_cast %get3A_14 : vector<1x2048x128xf32> to vector<2048x128xf32>
    %add3A_16 = arith.addf %get3A_10, %get3A_15 : vector<2048x128xf32>
    %get3A_17 = arith.constant 0 : index
    %get3A_18 = arith.constant 0 : index
    %get3A_19 = vector.load %arg3[%get3A_17, %get3A_18] : memref<2048x128xf32, #tpu.memory_space<vmem>>, vector<2048x128xf32>
    %add3A_20 = arith.addf %add3A_16, %get3A_19 : vector<2048x128xf32>
    %broadcast_in_dim3A = vector.shape_cast %rsqrt3A : vector<2048xf32> to vector<2048x1xf32>
    %mul3A = vector.broadcast %broadcast_in_dim3A : vector<2048x1xf32> to vector<2048x128xf32>
    %mul3A_21 = arith.mulf %add3A_20, %mul3A : vector<2048x128xf32>
    %get3A_22 = arith.constant 0 : index
    %get3A_23 = arith.constant 0 : index
    %get3A_24 = vector.load %arg5[%get3A_22, %get3A_23] : memref<1x128xf32, #tpu.memory_space<vmem>>, vector<1x128xf32>
    %add3A_25 = vector.broadcast %get3A_24 : vector<1x128xf32> to vector<2048x128xf32>
    %add3A_26 = arith.addf %mul3A_21, %add3A_25 : vector<2048x128xf32>
    %max3A = arith.constant 0.000000e+00 : f32
    %max3A_27 = vector.broadcast %max3A : f32 to vector<2048x128xf32>
    %max3A_28 = arith.maximumf %add3A_26, %max3A_27 : vector<2048x128xf32>
    %get3A_29 = arith.constant 0 : index
    %get3A_30 = arith.constant 0 : index
    %get3A_31 = vector.load %arg4[%get3A_29, %get3A_30] : memref<128x128xf32, #tpu.memory_space<vmem>>, vector<128x128xf32>
    %dot_general3A = arith.constant dense<0.000000e+00> : vector<2048x128xf32>
    %dot_general3A_32 = tpu.matmul %max3A_28, %get3A_31, %dot_general3A {dimension_numbers = #tpu.dot_dimension_numbers<[1], [0], [0], [1], [0, 0, 1, 1], [], []>, transpose_lhs_hint = false} : vector<2048x128xf32>, vector<128x128xf32>, vector<2048x128xf32> -> vector<2048x128xf32>
    %broadcast_in_dim3A_33 = vector.shape_cast %rsqrt3A : vector<2048xf32> to vector<2048x1xf32>
    %mul3A_34 = vector.broadcast %broadcast_in_dim3A_33 : vector<2048x1xf32> to vector<2048x128xf32>
    %mul3A_35 = arith.mulf %dot_general3A_32, %mul3A_34 : vector<2048x128xf32>
    %swap3A = arith.constant 0 : index
    %swap3A_36 = arith.constant 0 : index
    %swap3A_37 = vector.load %arg6[%swap3A, %swap3A_36] : memref<2048x128xf32, #tpu.memory_space<vmem>>, vector<2048x128xf32>
    tpu.vector_store %arg6[%swap3A, %swap3A_36], %mul3A_35 {strides = array<i32>} : memref<2048x128xf32, #tpu.memory_space<vmem>>, vector<2048x128xf32>,
    return
  }
  func.func @transform_0(%arg0: i32) -> (i32, i32, i32) {
    %c0_i32 = arith.constant 0 : i32
    %c0_i32_0 = arith.constant 0 : i32
    %c0_i32_1 = arith.constant 0 : i32
    return %c0_i32, %arg0, %c0_i32_0 : i32, i32, i32
  }
  func.func @transform_1(%arg0: i32) -> (i32, i32, i32) {
    %c0_i32 = arith.constant 0 : i32
    %c0_i32_0 = arith.constant 0 : i32
    %c0_i32_1 = arith.constant 0 : i32
    return %c0_i32, %arg0, %c0_i32_0 : i32, i32, i32
  }
  func.func @transform_2(%arg0: i32) -> (i32, i32) {
    %c0_i32 = arith.constant 0 : i32
    %c0_i32_0 = arith.constant 0 : i32
    return %arg0, %c0_i32 : i32, i32
  }
  func.func @transform_3(%arg0: i32) -> (i32, i32) {
    %c0_i32 = arith.constant 0 : i32
    %c0_i32_0 = arith.constant 0 : i32
    %c0_i32_1 = arith.constant 0 : i32
    return %c0_i32, %c0_i32_0 : i32, i32
  }
  func.func @transform_4(%arg0: i32) -> (i32, i32) {
    %c0_i32 = arith.constant 0 : i32
    %c0_i32_0 = arith.constant 0 : i32
    %c0_i32_1 = arith.constant 0 : i32
    return %c0_i32, %c0_i32_0 : i32, i32
  }
  func.func @transform_5(%arg0: i32) -> (i32, i32) {
    %c0_i32 = arith.constant 0 : i32
    %c0_i32_0 = arith.constant 0 : i32
    return %arg0, %c0_i32 : i32, i32
  }
}

module attributes {stable_mosaic.version = 14 : i64} {
  func.func @_pool_body(%arg0: i32, %arg1: memref<2x2048x16xf32, #tpu.memory_space<vmem>>, %arg2: memref<2x2048x128xf32, #tpu.memory_space<vmem>>, %arg3: memref<2048x128xf32, #tpu.memory_space<vmem>>, %arg4: memref<1x128xf32, #tpu.memory_space<vmem>>, %arg5: memref<1x1x2048xi32, #tpu.memory_space<vmem>>, %arg6: memref<128x128xf32, #tpu.memory_space<vmem>>, %arg7: memref<1x128xf32, #tpu.memory_space<vmem>>, %arg8: memref<64x128xf32, #tpu.memory_space<vmem>>, %arg9: memref<64x128xf32, #tpu.memory_space<vmem>>, %arg10: memref<64xf32, #tpu.memory_space<vmem>>) attributes {dimension_semantics = [#tpu.dimension_semantics<arbitrary>], iteration_bounds = array<i64: 5>, scalar_prefetch = 0 : i64, scratch_operands = 2 : i64, tpu.core_type = #tpu.core_type<tc>, window_params = [{transform_indices = @transform_0, window_bounds = array<i64: 2, 2048, 16>}, {transform_indices = @transform_1, window_bounds = array<i64: 2, 2048, 128>}, {transform_indices = @transform_2, window_bounds = array<i64: 2048, 128>}, {pipeline_mode = #tpu.pipeline_mode<synchronous>, transform_indices = @transform_3, window_bounds = array<i64: 1, 128>}, {transform_indices = @transform_4, window_bounds = array<i64: 1, 1, 2048>}, {pipeline_mode = #tpu.pipeline_mode<synchronous>, transform_indices = @transform_5, window_bounds = array<i64: 128, 128>}, {pipeline_mode = #tpu.pipeline_mode<synchronous>, transform_indices = @transform_6, window_bounds = array<i64: 1, 128>}, {pipeline_mode = #tpu.pipeline_mode<synchronous>, transform_indices = @transform_7, window_bounds = array<i64: 64, 128>}]} {
    %get3A = arith.constant 0 : index
    %get3A_0 = arith.constant 0 : index
    %get3A_1 = arith.constant 0 : index
    %get3A_2 = vector.load %arg1[%get3A, %get3A_0, %get3A_1] : memref<2x2048x16xf32, #tpu.memory_space<vmem>>, vector<2x2048x16xf32>
    %reduce_sum3A = arith.constant dense<0.000000e+00> : vector<2048xf32>
    %reduce_sum3A_3 = vector.multi_reduction <add>, %get3A_2, %reduce_sum3A [0, 2] : vector<2x2048x16xf32> to vector<2048xf32>
    %add3A = arith.constant 1.000000e+00 : f32
    %add3A_4 = vector.broadcast %add3A : f32 to vector<2048xf32>
    %add3A_5 = arith.addf %reduce_sum3A_3, %add3A_4 : vector<2048xf32>
    %rsqrt3A = math.rsqrt %add3A_5 : vector<2048xf32>
    %get3A_6 = arith.constant 0 : index
    %get3A_7 = arith.constant 0 : index
    %get3A_8 = arith.constant 0 : index
    %get3A_9 = vector.load %arg2[%get3A_6, %get3A_7, %get3A_8] : memref<2x2048x128xf32, #tpu.memory_space<vmem>>, vector<1x2048x128xf32>
    %get3A_10 = vector.shape_cast %get3A_9 : vector<1x2048x128xf32> to vector<2048x128xf32>
    %get3A_11 = arith.constant 1 : index
    %get3A_12 = arith.constant 0 : index
    %get3A_13 = arith.constant 0 : index
    %get3A_14 = vector.load %arg2[%get3A_11, %get3A_12, %get3A_13] : memref<2x2048x128xf32, #tpu.memory_space<vmem>>, vector<1x2048x128xf32>
    %get3A_15 = vector.shape_cast %get3A_14 : vector<1x2048x128xf32> to vector<2048x128xf32>
    %add3A_16 = arith.addf %get3A_10, %get3A_15 : vector<2048x128xf32>
    %get3A_17 = arith.constant 0 : index
    %get3A_18 = arith.constant 0 : index
    %get3A_19 = vector.load %arg3[%get3A_17, %get3A_18] : memref<2048x128xf32, #tpu.memory_space<vmem>>, vector<2048x128xf32>
    %add3A_20 = arith.addf %add3A_16, %get3A_19 : vector<2048x128xf32>
    %broadcast_in_dim3A = vector.shape_cast %rsqrt3A : vector<2048xf32> to vector<2048x1xf32>
    %mul3A = vector.broadcast %broadcast_in_dim3A : vector<2048x1xf32> to vector<2048x128xf32>
    %mul3A_21 = arith.mulf %add3A_20, %mul3A : vector<2048x128xf32>
    %get3A_22 = arith.constant 0 : index
    %get3A_23 = arith.constant 0 : index
    %get3A_24 = vector.load %arg4[%get3A_22, %get3A_23] : memref<1x128xf32, #tpu.memory_space<vmem>>, vector<1x128xf32>
    %add3A_25 = vector.broadcast %get3A_24 : vector<1x128xf32> to vector<2048x128xf32>
    %add3A_26 = arith.addf %mul3A_21, %add3A_25 : vector<2048x128xf32>
    %max3A = arith.constant 0.000000e+00 : f32
    %max3A_27 = vector.broadcast %max3A : f32 to vector<2048x128xf32>
    %max3A_28 = arith.maximumf %add3A_26, %max3A_27 : vector<2048x128xf32>
    %get3A_29 = arith.constant 0 : index
    %get3A_30 = arith.constant 0 : index
    %get3A_31 = arith.constant 0 : index
    %get3A_32 = vector.load %arg5[%get3A_29, %get3A_30, %get3A_31] : memref<1x1x2048xi32, #tpu.memory_space<vmem>>, vector<1x1x2048xi32>
    %get3A_33 = vector.shape_cast %get3A_32 : vector<1x1x2048xi32> to vector<2048xi32>
    %iota3A = tpu.iota {dimensions = array<i32: 0>} : vector<2048x64xi32>
    %mul3A_34 = arith.constant 2048 : i32
    %mul3A_35 = arith.muli %arg0, %mul3A_34 : i32
    %add3A_36 = vector.broadcast %mul3A_35 : i32 to vector<2048x64xi32>
    %add3A_37 = arith.addi %iota3A, %add3A_36 : vector<2048x64xi32>
    %broadcast_in_dim3A_38 = vector.shape_cast %get3A_33 : vector<2048xi32> to vector<2048x1xi32>
    %iota3A_39 = tpu.iota {dimensions = array<i32: 1>} : vector<2048x64xi32>
    %eq3A = vector.broadcast %broadcast_in_dim3A_38 : vector<2048x1xi32> to vector<2048x64xi32>
    %eq3A_40 = arith.cmpi eq, %eq3A, %iota3A_39 : vector<2048x64xi32>
    %lt3A = arith.constant 10000 : i32
    %lt3A_41 = vector.broadcast %lt3A : i32 to vector<2048x64xi32>
    %lt3A_42 = arith.cmpi slt, %add3A_37, %lt3A_41 : vector<2048x64xi32>
    %and3A = arith.andi %eq3A_40, %lt3A_42 : vector<2048x64xi1>
    %convert_element_type3A = arith.extui %and3A : vector<2048x64xi1> to vector<2048x64xi32>
    %convert_element_type3A_43 = arith.sitofp %convert_element_type3A : vector<2048x64xi32> to vector<2048x64xf32>
    %dot_general3A = arith.constant dense<0.000000e+00> : vector<64x128xf32>
    %dot_general3A_44 = tpu.matmul %convert_element_type3A_43, %max3A_28, %dot_general3A {dimension_numbers = #tpu.dot_dimension_numbers<[0], [0], [1], [1], [0, 1, 1, 1], [], []>, transpose_lhs_hint = false} : vector<2048x64xf32>, vector<2048x128xf32>, vector<64x128xf32> -> vector<64x128xf32>
    %reduce_sum3A_45 = arith.constant dense<0.000000e+00> : vector<64xf32>
    %reduce_sum3A_46 = vector.multi_reduction <add>, %convert_element_type3A_43, %reduce_sum3A_45 [0] : vector<2048x64xf32> to vector<64xf32>
    %eq3A_47 = arith.constant 0 : i32
    %eq3A_48 = arith.cmpi eq, %arg0, %eq3A_47 : i32
    %convert_element_type3A_49 = arith.extui %eq3A_48 : i1 to i32
    %cond3A = arith.constant 0 : i32
    %cond3A_50 = arith.cmpi ne, %convert_element_type3A_49, %cond3A : i32
    scf.if %cond3A_50 {
      %swap3A = arith.constant 0 : index
      %swap3A_60 = arith.constant 0 : index
      %swap3A_61 = vector.load %arg9[%swap3A, %swap3A_60] : memref<64x128xf32, #tpu.memory_space<vmem>>, vector<64x128xf32>
      tpu.vector_store %arg9[%swap3A, %swap3A_60], %dot_general3A_44 {strides = array<i32>} : memref<64x128xf32, #tpu.memory_space<vmem>>, vector<64x128xf32>,
      %swap3A_62 = arith.constant 0 : index
      %swap3A_63 = vector.load %arg10[%swap3A_62] : memref<64xf32, #tpu.memory_space<vmem>>, vector<64xf32>
      tpu.vector_store %arg10[%swap3A_62], %reduce_sum3A_46 {strides = array<i32>} : memref<64xf32, #tpu.memory_space<vmem>>, vector<64xf32>,
    } else {
    }
    %gt3A = arith.constant 0 : i32
    %gt3A_51 = arith.cmpi sgt, %arg0, %gt3A : i32
    %convert_element_type3A_52 = arith.extui %gt3A_51 : i1 to i32
    %cond3A_53 = arith.constant 0 : i32
    %cond3A_54 = arith.cmpi ne, %convert_element_type3A_52, %cond3A_53 : i32
    scf.if %cond3A_54 {
      %get3A_60 = arith.constant 0 : index
      %get3A_61 = arith.constant 0 : index
      %get3A_62 = vector.load %arg9[%get3A_60, %get3A_61] : memref<64x128xf32, #tpu.memory_space<vmem>>, vector<64x128xf32>
      %add3A_63 = arith.addf %get3A_62, %dot_general3A_44 : vector<64x128xf32>
      %swap3A = arith.constant 0 : index
      %swap3A_64 = arith.constant 0 : index
      %swap3A_65 = vector.load %arg9[%swap3A, %swap3A_64] : memref<64x128xf32, #tpu.memory_space<vmem>>, vector<64x128xf32>
      tpu.vector_store %arg9[%swap3A, %swap3A_64], %add3A_63 {strides = array<i32>} : memref<64x128xf32, #tpu.memory_space<vmem>>, vector<64x128xf32>,
      %get3A_66 = arith.constant 0 : index
      %get3A_67 = vector.load %arg10[%get3A_66] : memref<64xf32, #tpu.memory_space<vmem>>, vector<64xf32>
      %add3A_68 = arith.addf %get3A_67, %reduce_sum3A_46 : vector<64xf32>
      %swap3A_69 = arith.constant 0 : index
      %swap3A_70 = vector.load %arg10[%swap3A_69] : memref<64xf32, #tpu.memory_space<vmem>>, vector<64xf32>
      tpu.vector_store %arg10[%swap3A_69], %add3A_68 {strides = array<i32>} : memref<64xf32, #tpu.memory_space<vmem>>, vector<64xf32>,
    } else {
    }
    %eq3A_55 = arith.constant 4 : i32
    %eq3A_56 = arith.cmpi eq, %arg0, %eq3A_55 : i32
    %convert_element_type3A_57 = arith.extui %eq3A_56 : i1 to i32
    %cond3A_58 = arith.constant 0 : i32
    %cond3A_59 = arith.cmpi ne, %convert_element_type3A_57, %cond3A_58 : i32
    scf.if %cond3A_59 {
      %get3A_60 = arith.constant 0 : index
      %get3A_61 = arith.constant 0 : index
      %get3A_62 = vector.load %arg9[%get3A_60, %get3A_61] : memref<64x128xf32, #tpu.memory_space<vmem>>, vector<64x128xf32>
      %get3A_63 = arith.constant 0 : index
      %get3A_64 = vector.load %arg10[%get3A_63] : memref<64xf32, #tpu.memory_space<vmem>>, vector<64xf32>
      %max3A_65 = arith.constant 1.000000e+00 : f32
      %max3A_66 = vector.broadcast %max3A_65 : f32 to vector<64xf32>
      %max3A_67 = arith.maximumf %get3A_64, %max3A_66 : vector<64xf32>
      %broadcast_in_dim3A_68 = vector.shape_cast %max3A_67 : vector<64xf32> to vector<64x1xf32>
      %div3A = vector.broadcast %broadcast_in_dim3A_68 : vector<64x1xf32> to vector<64x128xf32>
      %div3A_69 = arith.divf %get3A_62, %div3A : vector<64x128xf32>
      %get3A_70 = arith.constant 0 : index
      %get3A_71 = arith.constant 0 : index
      %get3A_72 = vector.load %arg6[%get3A_70, %get3A_71] : memref<128x128xf32, #tpu.memory_space<vmem>>, vector<128x128xf32>
      %dot_general3A_73 = arith.constant dense<0.000000e+00> : vector<64x128xf32>
      %dot_general3A_74 = tpu.matmul %div3A_69, %get3A_72, %dot_general3A_73 {dimension_numbers = #tpu.dot_dimension_numbers<[1], [0], [0], [1], [0, 0, 1, 1], [], []>, transpose_lhs_hint = false} : vector<64x128xf32>, vector<128x128xf32>, vector<64x128xf32> -> vector<64x128xf32>
      %get3A_75 = arith.constant 0 : index
      %get3A_76 = arith.constant 0 : index
      %get3A_77 = vector.load %arg7[%get3A_75, %get3A_76] : memref<1x128xf32, #tpu.memory_space<vmem>>, vector<1x128xf32>
      %add3A_78 = vector.broadcast %get3A_77 : vector<1x128xf32> to vector<64x128xf32>
      %add3A_79 = arith.addf %dot_general3A_74, %add3A_78 : vector<64x128xf32>
      %swap3A = arith.constant 0 : index
      %swap3A_80 = arith.constant 0 : index
      %swap3A_81 = vector.load %arg8[%swap3A, %swap3A_80] : memref<64x128xf32, #tpu.memory_space<vmem>>, vector<64x128xf32>
      tpu.vector_store %arg8[%swap3A, %swap3A_80], %add3A_79 {strides = array<i32>} : memref<64x128xf32, #tpu.memory_space<vmem>>, vector<64x128xf32>,
    } else {
    }
    return
  }
  func.func @transform_0(%arg0: i32) -> (i32, i32, i32) {
    %c0_i32 = arith.constant 0 : i32
    %c0_i32_0 = arith.constant 0 : i32
    %c0_i32_1 = arith.constant 0 : i32
    return %c0_i32, %arg0, %c0_i32_0 : i32, i32, i32
  }
  func.func @transform_1(%arg0: i32) -> (i32, i32, i32) {
    %c0_i32 = arith.constant 0 : i32
    %c0_i32_0 = arith.constant 0 : i32
    %c0_i32_1 = arith.constant 0 : i32
    return %c0_i32, %arg0, %c0_i32_0 : i32, i32, i32
  }
  func.func @transform_2(%arg0: i32) -> (i32, i32) {
    %c0_i32 = arith.constant 0 : i32
    %c0_i32_0 = arith.constant 0 : i32
    return %arg0, %c0_i32 : i32, i32
  }
  func.func @transform_3(%arg0: i32) -> (i32, i32) {
    %c0_i32 = arith.constant 0 : i32
    %c0_i32_0 = arith.constant 0 : i32
    %c0_i32_1 = arith.constant 0 : i32
    return %c0_i32, %c0_i32_0 : i32, i32
  }
  func.func @transform_4(%arg0: i32) -> (i32, i32, i32) {
    %c0_i32 = arith.constant 0 : i32
    %c0_i32_0 = arith.constant 0 : i32
    %c0_i32_1 = arith.constant 0 : i32
    return %arg0, %c0_i32, %c0_i32_0 : i32, i32, i32
  }
  func.func @transform_5(%arg0: i32) -> (i32, i32) {
    %c0_i32 = arith.constant 0 : i32
    %c0_i32_0 = arith.constant 0 : i32
    %c0_i32_1 = arith.constant 0 : i32
    return %c0_i32, %c0_i32_0 : i32, i32
  }
  func.func @transform_6(%arg0: i32) -> (i32, i32) {
    %c0_i32 = arith.constant 0 : i32
    %c0_i32_0 = arith.constant 0 : i32
    %c0_i32_1 = arith.constant 0 : i32
    return %c0_i32, %c0_i32_0 : i32, i32
  }
  func.func @transform_7(%arg0: i32) -> (i32, i32) {
    %c0_i32 = arith.constant 0 : i32
    %c0_i32_0 = arith.constant 0 : i32
    %c0_i32_1 = arith.constant 0 : i32
    return %c0_i32, %c0_i32_0 : i32, i32
  }
}

</mosaic_0001>

<sc_bundles>
// kernel: kernel.11.cloned.1.call-start
scs
__scs_entry_jumppad:
0x0: {  	(pc) =	sbr.rel $0x88, $3  }
0x1: {  	(tag) =	ssettag $0x0;
	lr =	simm.s32 $0x1  }
0x2: {  	[smem:$0x3F98] =	sst lr;
	_ =	strace $0xD0000000  }
0x3: {  	_ = 	snop  }
0x4: {  	_ = 	snop  }
0x5: {  	_ = 	snop  }
0x6: {  	_ = 	snop  }
0x7: {  	_ = 	snop  }
__scs_overlays_trampoline_lowered:
0x8: {  	[smem:$0x3FA7] =	sst s0  }
0x9: {  	[smem:$0x3FA8] =	sst s1  }
0xa: {  	[smem:$0x3FA9] =	sst s2  }
0xb: {  	[smem:$0x3FAA] =	sst s3  }
0xc: {  	[smem:$0x3FAB] =	sst s4  }
0xd: {  	[smem:$0x3FAC] =	sst s5  }
0xe: {  	[smem:$0x3FAD] =	sst s6  }
0xf: {  	[smem:$0x3FAE] =	sst s7  }
0x10: {  	[smem:$0x3FAF] =	sst s8  }
0x11: {  	[smem:$0x3FB0] =	sst s9;
	s0 =	simm.s32 @!p0 $0x0  }
0x12: {  	s1 =	sld [smem:$0x3F96];
	s0 =	simm.s32 @p0 $0x1  }
0x13: {  	[smem:$0x3FB1] =	sst s0;
	s0 =	simm.s32 @!p1 $0x0  }
0x14: {  	s2 =	sld [smem:$0x3F95];
	s0 =	simm.s32 @p1 $0x1  }
0x15: {  	[smem:$0x3FB2] =	sst s0;
	s0 =	simm.s32 @!p2 $0x0  }
0x16: {  	s3 =	sld [smem:$0x3FDB];
	s0 =	simm.s32 @p2 $0x1  }
0x17: {  	s4 =	simm.s32 $0x1BF5;
	[smem:$0x3FB4] =	sst s0  }
0x18: {  	s0 =	sld [smem:$0x3F97];
	_ =	swait.ge [sflag:s4], $0x0  }
0x19: {  	s7 =	sld [smem:$0x3F98]  }
0x1a: {  	s8 =	sadd.s32 $0xFFFFE003, lr  }
0x1b: {  	s9 =	sadd.s32 $0xFFFFFEF7, lr;
	s5 =	simm.s32 $0xFFFFFFFF;
	p2 =	slt.u32 s8, $0xFFFFF086  }
0x1c: {  	p1 =	slt.u32 s9, $0xF7A;
	s5 =	simm.s32 @!p2 $0x0  }
0x1d: {  	s5 =	simm.s32 @p1 $0x1;
	p0 =	seq.s32 s7, s2  }
0x1e: {  	s7 =	smul.u32 @!p0 $0xF7A, s2;
	p2 =	seq.s32 @!p0 s5, $0x0  }
0x1f: {  	s9 =	smul.u32 $0xF7A, s1;
	s8 =	simm.s32 @!p0 $0x1BF5;
	p2 =	por !p2, p0  }
0x20: {  	[sflag:s8] =	ssyncset.s32 @!p0 $0xFFFFF086;
	s6 =	sadd.s32 @!p0 s3, s7;
	s7 =	simm.s32 @!p0 $0x108  }
0x21: {  	s3 =	sadd.s32 s3, s9;
	s6 =	sadd.s32 @!p0 $0x88, s6;
	s7 =	simm.s32 @p2 $0x1082  }
0x22: {  	[simem:s7], [sflag:s8] =	dma.local @!p0 [hbm:s6], $0xF7A  }
0x23: {  	s9 =	sor.u32 $0xD0000000, s2;
	s6 =	simm.s32 $0x108;
	_ =	swait.ge @!p0 [sflag:s8], $0x0  }
0x24: {  	s3 =	sadd.s32 $0x88, s3;
	s6 =	simm.s32 @!p1 $0x1082;
	[sflag:s4] =	ssyncset.s32 $0xFFFFF086  }
0x25: {  	[simem:s6], [sflag:s4] =	dma.local [hbm:s3], $0xF7A  }
0x26: {  	[smem:$0x3F98] =	sst s1;
	(tag) =	ssettag s2;
	_ =	strace s9  }
0x27: {  	s1 =	sld [smem:$0x3FA8]  }
0x28: {  	s2 =	sld [smem:$0x3FA9]  }
0x29: {  	s4 =	sld [smem:$0x3FAB]  }
0x2a: {  	p0 =	seq.s32 s5, $0x0;
	s5 =	sld [smem:$0x3FAC]  }
0x2b: {  	s6 =	sld [smem:$0x3FAD]  }
0x2c: {  	s7 =	sld [smem:$0x3FAE]  }
0x2d: {  	s3 =	simm.s32 $0x108;
	s8 =	sld [smem:$0x3FAF]  }
0x2e: {  	s3 =	simm.s32 @!p0 $0x1082;
	s9 =	sld [smem:$0x3FB0]  }
0x2f: {  	lr =	sadd.s32 s0, s3;
	s0 =	sld [smem:$0x3FA7]  }
0x30: {  	s3 =	sld [smem:$0x3FAA]  }
0x31: {  	[smem:$0x3FB3] =	sst s10  }
0x32: {  	s10 =	sld [smem:$0x3FB1];
	_ =	sdelay $0x3  }
0x33: {  	p0 =	seq.s32 s10, $0x1;
	s10 =	sld [smem:$0x3FB3];
	_ =	sdelay $0x3  }
0x34: {  	[smem:$0x3FB3] =	sst s10  }
0x35: {  	s10 =	sld [smem:$0x3FB2];
	_ =	sdelay $0x3  }
0x36: {  	p1 =	seq.s32 s10, $0x1;
	s10 =	sld [smem:$0x3FB3];
	_ =	sdelay $0x3  }
0x37: {  	[smem:$0x3FB3] =	sst s10  }
0x38: {  	s10 =	sld [smem:$0x3FB4]  }
0x39: {  	_ = 	snop;
	(pc) =	sbr.ind lr, $3  }
0x3a: {  	_ = 	snop  }
0x3b: {  	_ = 	snop  }
0x3c: {  	p2 =	seq.s32 s10, $0x1;
	s10 =	sld [smem:$0x3FB3]  }
0x3d: {  	_ =	shalt  }
0x3e: {  	_ =	shalt  }
0x3f: {  	_ =	shalt  }
0x40: {  	_ =	shalt  }
0x41: {  	_ =	shalt  }
0x42: {  	_ =	shalt  }
0x43: {  	_ =	shalt  }
0x44: {  	_ =	shalt  }
0x45: {  	_ =	shalt  }
0x46: {  	_ =	shalt  }
0x47: {  	_ =	shalt  }
0x48: {  	_ =	shalt  }
0x49: {  	_ =	shalt  }
0x4a: {  	_ =	shalt  }
0x4b: {  	_ =	shalt  }
0x4c: {  	_ =	shalt  }
0x4d: {  	_ =	shalt  }
0x4e: {  	_ =	shalt  }
0x4f: {  	_ =	shalt  }
0x50: {  	_ =	shalt  }
0x51: {  	_ =	shalt  }
0x52: {  	_ =	shalt  }
0x53: {  	_ =	shalt  }
0x54: {  	_ =	shalt  }
0x55: {  	_ =	shalt  }
0x56: {  	_ =	shalt  }
0x57: {  	_ =	shalt  }
0x58: {  	_ =	shalt  }
0x59: {  	_ =	shalt  }
0x5a: {  	_ =	shalt  }
0x5b: {  	_ =	shalt  }
0x5c: {  	_ =	shalt  }
0x5d: {  	_ =	shalt  }
0x5e: {  	_ =	shalt  }
0x5f: {  	_ =	shalt  }
0x60: {  	_ =	shalt  }
0x61: {  	_ =	shalt  }
0x62: {  	_ =	shalt  }
0x63: {  	_ =	shalt  }
0x64: {  	_ =	shalt  }
0x65: {  	_ =	shalt  }
0x66: {  	_ =	shalt  }
0x67: {  	_ =	shalt  }
0x68: {  	_ =	shalt  }
0x69: {  	_ =	shalt  }
0x6a: {  	_ =	shalt  }
0x6b: {  	_ =	shalt  }
0x6c: {  	_ =	shalt  }
0x6d: {  	_ =	shalt  }
0x6e: {  	_ =	shalt  }
0x6f: {  	_ =	shalt  }
0x70: {  	_ =	shalt  }
0x71: {  	_ =	shalt  }
0x72: {  	_ =	shalt  }
0x73: {  	_ =	shalt  }
0x74: {  	_ =	shalt  }
0x75: {  	_ =	shalt  }
0x76: {  	_ =	shalt  }
0x77: {  	_ =	shalt  }
0x78: {  	_ =	shalt  }
0x79: {  	_ =	shalt  }
0x7a: {  	_ =	shalt  }
0x7b: {  	_ =	shalt  }
0x7c: {  	_ =	shalt  }
0x7d: {  	_ =	shalt  }
0x7e: {  	_ =	shalt  }
0x7f: {  	_ =	shalt  }
0x80: {  	_ =	shalt  }
0x81: {  	_ =	shalt  }
0x82: {  	_ =	shalt  }
0x83: {  	_ =	shalt  }
0x84: {  	_ =	shalt  }
0x85: {  	_ =	shalt  }
0x86: {  	_ =	shalt  }
0x87: {  	_ =	shalt  }
.Lfunc_end0:
.L_simem_size_0:
called_computation.1_lowered:
.L_overlay_start_0:
0x88: {  	s2 =	sld [smem:$0x3FD9]  }
0x89: {  	s3 =	sld [smem:$0x3FFE];
	_ =	sdelay $0x1  }
0x8a: {  	s1 =	srdreg.scid  }
0x8b: {  	s0 =	sand.u32 $0x1, s1  }
0x8c: {  	s16 =	sshll.u32 s0, $0xA;
	s2 =	sadd.s32 s3, s2  }
0x8d: {  	s2 =	sadd.s32 s2, s16  }
0x8e: {  	[smem:$0x3FBF] =	sst s2  }
0x8f: {  	_ = 	snop  }
0x90: {  	(tm) =	ssettm $0x1  }
0x91: {  	s17 =	sld [smem:$0x3FFB];
	_ =	sdelay $0x3  }
0x92: {  	_ =	strace s17  }
0x93: {  	s2 =	sld [smem:$0x3FFC];
	_ =	sdelay $0x3  }
0x94: {  	_ =	strace s2  }
0x95: {  	s2 =	sld [smem:$0x3FFD];
	_ =	sdelay $0x3  }
0x96: {  	_ =	strace s2  }
0x97: {  	_ =	strace $0x8FFFFFFF  }
0x98: {  	s18 =	sld [smem:$0x3FDB];
	_ =	sdelay $0x1  }
0x99: {  	s19 =	simm.s32 $_scs_section_size  }
0x9a: {  	s4 =	simm.s32 $_size__tile_overlayer_lowered;
	s5 =	simm.s32 $_tile_overlayer_lowered  }
0x9b: {  	s22 =	simm.s32 $0x1BFF;
	s21 =	sshll.u32 s5, $0x1;
	s2 =	sadd.s32 s19, s18  }
0x9c: {  	s6 =	simm.s32 $0x0;
	s20 =	sshll.u32 s4, $0x1;
	s4 =	sadd.s32 s21, s2  }
0x9d: {  	[timem:s6], [sflag:s22] =	dma.local [hbm:s4], s20  }
0x9e: {  	_ =	swait.ge [sflag:s22], s20  }
0x9f: {  	s3 =	ssub.s32 $0x0, s20;
	[sflag:s22] =	ssyncset.done $0x0  }
0xa0: {  	[sflag:s22] =	ssyncadd.s32 s3;
	_ =	sdelay $0x1  }
0xa1: {  	s23 =	simm.s32 $0x1B8B  }
0xa2: {  	_ =	swait.ge [sflag:s23], $0x1  }
0xa3: {  	[sflag:s23] =	ssyncset.done $0x0  }
0xa4: {  	s25 =	simm.s32 $0x1B8E;
	s24 =	sld [smem:$0x3FFE];
	[sflag:s23] =	ssyncadd.s32 $0xFFFFFFFF  }
0xa5: {  	s26 =	simm.s32 $execute0_lowered;
	[smem:$0x3FD2] =	sst s25  }
0xa6: {  	s4 =	sshll.u32 s26, $0x1;
	_ =	strace $0x80000049;
	[dreg:$0x1] =	wrdreg $0xFFFFFFFF  }
0xa7: {  	s28 =	simm.s32 $_size_execute0_lowered;
	s2 =	sadd.s32 s2, s4;
	[dreg:$0x0] =	wrdreg $0x0  }
0xa8: {  	s4 =	sshll.u32 s28, $0x1;
	[dreg:$0x2] =	wrdreg s2  }
0xa9: {  	[dreg:$0x3] =	wrdreg s4  }
0xaa: {  	[dreg:$0x4] =	wrdreg $0xC0  }
0xab: {  	_ =	task [dreg:s6], $0x5FFFF  }
0xac: {  	[dreg:$0x1] =	wrdreg $0xFFFFFFFF  }
0xad: {  	[dreg:$0x0] =	wrdreg $0x60  }
0xae: {  	[dreg:$0x2] =	wrdreg s24  }
0xaf: {  	[dreg:$0x3] =	wrdreg $0x43000  }
0xb0: {  	[dreg:$0x4] =	wrdreg $0x9  }
0xb1: {  	_ =	task.clear_ibuf [dreg:s6], $0x5FFFF;
	_ =	strace $0x90000049  }
0xb2: {  	s29 =	simm.s32 $0x9;
	_ =	strace $0x8000004B  }
0xb3: {  	_ =	swait.ge [sflag:s29], $0x1  }
0xb4: {  	[sflag:s29] =	ssyncadd.s32 $0xFFFFFFFF  }
0xb5: {  	_ =	strace $0x9000004B  }
0xb6: {  	_ =	sfence  }
0xb7: {  	s30 =	sld [smem:$0x0];
	_ =	sdelay $0x2  }
0xb8: {  	s31 =	sshll.u32 s1, $0xD;
	s1 =	sshrl.u32 s1, $0x2  }
0xb9: {  	s3 =	sand.u32 $0x4000, s31;
	s1 =	sadd.s32 s1, s30  }
0xba: {  	s0 =	sor.u32 s3, s0;
	s1 =	sshll.u32 s1, $0x11  }
0xbb: {  	s0 =	sor.u32 s1, s0  }
0xbc: {  	s0 =	sadd.s32 $0x8F2B, s0  }
0xbd: {  	[sflag:s0] =	ssyncadd.remote.s32 $0x1  }
0xbe: {  	_ =	sfence.sel $0xFFFF  }
0xbf: {  	[dreg:$0x0] =	wrdreg $0xFFFFFFFF;
	(pc) =	sbr.abs _section_cstart, $3  }
0xc0: {  	[dreg:$0x1] =	wrdreg $0xFFFFFFFF  }
0xc1: {  	_ =	task.clear_ibuf [dreg:s6], $0x2FFFF;
	_ =	strace $0x9FFFFFFF  }
0xc2: {  	(tm) =	ssettm $0x7FFFFFFF  }
0xc3: {  	_ =	shalt  }
tec
execute0_lowered:
.L_overlay_start_1:
0x0: {  	(tag) =	ssettag $0x1  }
0x1: {  	s0 =	rddreg [dreg:$0x0]  }
0x2: {  	s1 =	rddreg [dreg:$0x1];
	s2 =	srdreg.scid;
	s3 =	simm.s32 $0x0  }
0x3: {  	s12 =	stileid.u32;
	s28 =	simm.s32 $0x180;
	s29 =	simm.s32 $0x3  }
0x4: {  	s30 =	simm.s32 $0x200;
	s31 =	simm.s32 $0x280;
	s2 =	sand.u32 $0x1, s2  }
0x5: {  	[smem:$0x7FF] =	sst s3;
	s8 =	smul.u32 $0x14000, s12;
	s4 =	sadd.s32 $0x16400, s0  }
0x6: {  	s5 =	sadd.s32 $0x2800, s0;
	s6 =	sadd.s32 $0xC600, s0;
	s17 =	smul.u32 $0x50000, s12  }
0x7: {  	s9 =	sadd.s32 $0x3E400, s0;
	s16 =	sshll.u32 s12, $0x1;
	s14 =	smul.u32 $0x4E20, s12  }
0x8: {  	s20 =	sshll.u32 s12, $0x6;
	s7 =	smul.u32 $0x140000, s2;
	s18 =	ssub.s32 $0x2, s2  }
0x9: {  	_ =	strace $0x8000004A;
	[dreg:$0x3] =	wrdreg s9;
	s10 =	sshrl.u32 s18, $0x1  }
0xa: {  	s19 =	sshrl.u32 s17, $0x2;
	s7 =	sadd.s32 s8, s7;
	s8 =	sor.u32 s2, s16  }
0xb: {  	s17 =	sadd.s32 s19, s1;
	s2 =	smul.u32 $0x2710, s2;
	s7 =	sshrl.u32 s7, $0x3  }
0xc: {  	s11 =	smul.u32 $0x2710, s8;
	s8 =	sor.u32 $0x1C04, s20;
	s20 =	sshrl.u32 s17, $0x3  }
0xd: {  	s0 =	sadd.s32 s7, s0;
	s7 =	ssub.s32 s18, s10;
	s2 =	sadd.s32 s2, s14  }
0xe: {  	s21 =	sshrl.u32 s11, $0x3;
	s15 =	sadd.s32 $0x40C00, s0;
	s26 =	sadd.s32 $0x80, s2  }
0xf: {  	s16 =	smax.u32 s7, $0x1;
	s22 =	sadd.s32 s5, s21;
	s23 =	sadd.s32 $0x4D0, s21  }
0x10: {  	s24 =	sadd.s32 s6, s21;
	s9 =	sadd.s32 $0x4E0, s21;
	s0 =	sshrl.u32 s26, $0x3  }
0x11: {  	s21 =	simm.s32 $0x4;
	s26 =	simm.s32 $0x1;
	[dreg:$0x4] =	wrdreg s22  }
0x12: {  	[dreg:$0x5] =	wrdreg s24;
	s25 =	sadd.s32 s5, s23;
	s12 =	sadd.s32 s6, s23  }
0x13: {  	s13 =	sadd.s32 s5, s9;
	s14 =	sadd.s32 s6, s9;
	s9 =	sadd.s32 $0x100, s2  }
0x14: {  	s18 =	sadd.s32 s0, s6;
	s19 =	sadd.s32 s0, s5;
	s22 =	simm.s32 $0x100  }
0x15: {  	s23 =	simm.s32 $0x2;
	s24 =	simm.s32 $0x80;
	s0 =	simm.s32 $0x10  }
0x16: {  	s2 =	simm.s32 $0x0;
	[dreg:$0x6] =	wrdreg s25;
	s25 =	simm.s32 $0x300  }
.LBB2_1:
0x17: {  	s7 =	rddreg [dreg:$0x3]  }
0x18: {  	[spmem:s20], [sflag:s8] =	dma.local [hbm:s7], $0x2800  }
0x19: {  	_ =	swait.ge [sflag:s21], $0x2800  }
0x1a: {  	[sflag:s21] =	ssyncset.done $0x0  }
0x1b: {  	[sflag:s21] =	ssyncadd.s32 $0xFFFFD800  }
0x1c: {  	[bflag:$0x0] =	sbarrier.arrive $0xFFFF  }
0x1d: {  	s10 =	rddreg [dreg:$0x4]  }
0x1e: {  	[tilespmem:s3], [sflag:$0x2] =	stream.linear.gather [hbm4b:s10+s3], $0x80, $0x38;
	[tilespmem:$0x18300] =	vst v63  }
0x1f: {  	s11 =	rddreg [dreg:$0x5]  }
0x20: {  	[tilespmem:s22], [sflag:$0x2] =	stream.linear.gather [hbm4b:s11+s3], $0x80, $0x38;
	[tilespmem:$0x18300] =	vst v63  }
0x21: {  	_ =	swait.ge [sflag:s23], $0x80  }
0x22: {  	[sflag:s23] =	ssyncset.done $0x0  }
0x23: {  	[sflag:s23] =	ssyncadd.s32 $0xFFFFFF80  }
0x24: {  	_ =	swait.ge [sflag:s23], $0x80  }
0x25: {  	[sflag:s23] =	ssyncset.done $0x0  }
0x26: {  	[sflag:s23] =	ssyncadd.s32 $0xFFFFFF80  }
0x27: {  	[tilespmem:s25], [sflag:$0x1] =	stream.indirect.gather [hbm4b:s4+s24], $0x80, s3, s24, $0xb8;
	[tilespmem:$0x18300] =	vst v63  }
0x28: {  	_ =	swait.ge [sflag:s26], $0x4000  }
0x29: {  	[sflag:s26] =	ssyncset.done $0x0  }
0x2a: {  	s17 =	sadd.s32 $0x0, s19;
	[sflag:s26] =	ssyncadd.s32 $0xFFFFC000  }
0x2b: {  	[tilespmem:s24], [sflag:$0x3] =	stream.linear.gather [hbm4b:s17+s3], $0x80, $0x38;
	[tilespmem:$0x18300] =	vst v63  }
0x2c: {  	s10 =	sadd.s32 $0x0, s18  }
0x2d: {  	[tilespmem:s28], [sflag:$0x3] =	stream.linear.gather [hbm4b:s10+s3], $0x80, $0x38;
	[tilespmem:$0x18300] =	vst v63  }
0x2e: {  	_ = 	snop  }
0x2f: {  	[spmem:s1] =	stream.indirect.scatter.add.f32 [tilespmem:s25], [sflag:$0x4], $0x80, s22, s24, $0xb8;
	[tilespmem:$0x18300] =	vst v63  }
0x30: {  	_ =	swait.ge [sflag:s21], $0x4000  }
0x31: {  	[sflag:s21] =	ssyncset.done $0x0  }
0x32: {  	[sflag:s21] =	ssyncadd.s32 $0xFFFFC000  }
0x33: {  	_ =	swait.ge [sflag:s29], $0x80  }
0x34: {  	[sflag:s29] =	ssyncset.done $0x0  }
0x35: {  	[sflag:s29] =	ssyncadd.s32 $0xFFFFFF80  }
0x36: {  	_ =	swait.ge [sflag:s29], $0x80  }
0x37: {  	[sflag:s29] =	ssyncset.done $0x0  }
0x38: {  	[sflag:s29] =	ssyncadd.s32 $0xFFFFFF80  }
0x39: {  	[tilespmem:s25], [sflag:$0x1] =	stream.indirect.gather [hbm4b:s4+s24], $0x80, s24, s24, $0xb8;
	[tilespmem:$0x18300] =	vst v63  }
0x3a: {  	_ =	swait.ge [sflag:s26], $0x4000  }
0x3b: {  	s11 =	sshrl.u32 s9, $0x3;
	[sflag:s26] =	ssyncset.done $0x0  }
0x3c: {  	s17 =	sadd.s32 s5, s11;
	[sflag:s26] =	ssyncadd.s32 $0xFFFFC000  }
0x3d: {  	[tilespmem:s3], [sflag:$0x2] =	stream.linear.gather [hbm4b:s17+s3], $0x80, $0x38;
	[tilespmem:$0x18300] =	vst v63  }
0x3e: {  	s7 =	sadd.s32 s6, s11  }
0x3f: {  	[tilespmem:s22], [sflag:$0x2] =	stream.linear.gather [hbm4b:s7+s3], $0x80, $0x38;
	[tilespmem:$0x18300] =	vst v63  }
0x40: {  	_ = 	snop  }
0x41: {  	[spmem:s1] =	stream.indirect.scatter.add.f32 [tilespmem:s25], [sflag:$0x4], $0x80, s28, s24, $0xb8;
	[tilespmem:$0x18300] =	vst v63  }
0x42: {  	_ =	swait.ge [sflag:s21], $0x4000  }
0x43: {  	s17 =	smov.u32 s9;
	s7 =	simm.s32 $0x20;
	[sflag:s21] =	ssyncset.done $0x0  }
.LBB2_2:
0x44: {  	p0 =	sne.s32 s7, $0x4A0;
	[sflag:s21] =	ssyncadd.s32 $0xFFFFC000;
	s17 =	sadd.s32 $0x100, s17  }
0x45: {  	s10 =	smov.u32 s7;
	s7 =	sadd.s32 $0x20, s7  }
0x46: {  	_ =	swait.ge [sflag:s23], $0x80  }
0x47: {  	[sflag:s23] =	ssyncset.done $0x0  }
0x48: {  	[sflag:s23] =	ssyncadd.s32 $0xFFFFFF80  }
0x49: {  	_ =	swait.ge [sflag:s23], $0x80  }
0x4a: {  	[sflag:s23] =	ssyncset.done $0x0  }
0x4b: {  	[sflag:s23] =	ssyncadd.s32 $0xFFFFFF80  }
0x4c: {  	[tilespmem:s25], [sflag:$0x1] =	stream.indirect.gather [hbm4b:s4+s24], $0x80, s3, s24, $0xb8;
	[tilespmem:$0x18300] =	vst v63  }
0x4d: {  	_ =	swait.ge [sflag:s26], $0x4000  }
0x4e: {  	[sflag:s26] =	ssyncset.done $0x0  }
0x4f: {  	s11 =	sadd.s32 s10, s19;
	[sflag:s26] =	ssyncadd.s32 $0xFFFFC000  }
0x50: {  	[tilespmem:s24], [sflag:$0x3] =	stream.linear.gather [hbm4b:s11+s3], $0x80, $0x38;
	[tilespmem:$0x18300] =	vst v63  }
0x51: {  	s10 =	sadd.s32 s10, s18  }
0x52: {  	[tilespmem:s28], [sflag:$0x3] =	stream.linear.gather [hbm4b:s10+s3], $0x80, $0x38;
	[tilespmem:$0x18300] =	vst v63  }
0x53: {  	_ = 	snop  }
0x54: {  	[spmem:s1] =	stream.indirect.scatter.add.f32 [tilespmem:s25], [sflag:$0x4], $0x80, s22, s24, $0xb8;
	[tilespmem:$0x18300] =	vst v63  }
0x55: {  	_ =	swait.ge [sflag:s21], $0x4000  }
0x56: {  	[sflag:s21] =	ssyncset.done $0x0  }
0x57: {  	[sflag:s21] =	ssyncadd.s32 $0xFFFFC000  }
0x58: {  	_ =	swait.ge [sflag:s29], $0x80  }
0x59: {  	[sflag:s29] =	ssyncset.done $0x0  }
0x5a: {  	[sflag:s29] =	ssyncadd.s32 $0xFFFFFF80  }
0x5b: {  	_ =	swait.ge [sflag:s29], $0x80  }
0x5c: {  	[sflag:s29] =	ssyncset.done $0x0  }
0x5d: {  	[sflag:s29] =	ssyncadd.s32 $0xFFFFFF80  }
0x5e: {  	[tilespmem:s25], [sflag:$0x1] =	stream.indirect.gather [hbm4b:s4+s24], $0x80, s24, s24, $0xb8;
	[tilespmem:$0x18300] =	vst v63  }
0x5f: {  	_ =	swait.ge [sflag:s26], $0x4000  }
0x60: {  	s10 =	sshrl.u32 s17, $0x3;
	[sflag:s26] =	ssyncset.done $0x0  }
0x61: {  	s11 =	sadd.s32 s5, s10;
	[sflag:s26] =	ssyncadd.s32 $0xFFFFC000  }
0x62: {  	[tilespmem:s3], [sflag:$0x2] =	stream.linear.gather [hbm4b:s11+s3], $0x80, $0x38;
	[tilespmem:$0x18300] =	vst v63  }
0x63: {  	s10 =	sadd.s32 s6, s10  }
0x64: {  	[tilespmem:s22], [sflag:$0x2] =	stream.linear.gather [hbm4b:s10+s3], $0x80, $0x38;
	[tilespmem:$0x18300] =	vst v63  }
.Ltmp0:
0x65: {  	_ = 	snop;
	(pc) =	sbr.rel @p0 .LBB2_2-.Ltmp0, $4  }
0x66: {  	_ = 	snop  }
0x67: {  	[spmem:s1] =	stream.indirect.scatter.add.f32 [tilespmem:s25], [sflag:$0x4], $0x80, s28, s24, $0xb8;
	[tilespmem:$0x18300] =	vst v63  }
0x68: {  	_ =	swait.ge [sflag:s21], $0x4000  }
0x69: {  	[sflag:s21] =	ssyncset.done $0x0  }
0x6a: {  	[sflag:s21] =	ssyncadd.s32 $0xFFFFC000  }
0x6b: {  	_ =	swait.ge [sflag:s23], $0x80  }
0x6c: {  	[sflag:s23] =	ssyncset.done $0x0  }
0x6d: {  	[sflag:s23] =	ssyncadd.s32 $0xFFFFFF80  }
0x6e: {  	_ =	swait.ge [sflag:s23], $0x80  }
0x6f: {  	[sflag:s23] =	ssyncset.done $0x0  }
0x70: {  	[sflag:s23] =	ssyncadd.s32 $0xFFFFFF80  }
0x71: {  	[tilespmem:s25], [sflag:$0x1] =	stream.indirect.gather [hbm4b:s4+s24], $0x80, s3, s24, $0xb8;
	[tilespmem:$0x18300] =	vst v63  }
0x72: {  	_ =	swait.ge [sflag:s26], $0x4000  }
0x73: {  	[sflag:s26] =	ssyncset.done $0x0  }
0x74: {  	s7 =	rddreg [dreg:$0x6];
	[sflag:s26] =	ssyncadd.s32 $0xFFFFC000  }
0x75: {  	[tilespmem:s24], [sflag:$0x3] =	stream.linear.gather [hbm4b:s7+s3], $0x80, $0x38;
	[tilespmem:$0x18300] =	vst v63  }
0x76: {  	_ = 	snop  }
0x77: {  	[tilespmem:s28], [sflag:$0x3] =	stream.linear.gather [hbm4b:s12+s3], $0x80, $0x38;
	[tilespmem:$0x18300] =	vst v63  }
0x78: {  	_ = 	snop  }
0x79: {  	[spmem:s1] =	stream.indirect.scatter.add.f32 [tilespmem:s25], [sflag:$0x4], $0x80, s22, s24, $0xb8;
	[tilespmem:$0x18300] =	vst v63  }
0x7a: {  	_ =	swait.ge [sflag:s21], $0x4000  }
0x7b: {  	[sflag:s21] =	ssyncset.done $0x0  }
0x7c: {  	[sflag:s21] =	ssyncadd.s32 $0xFFFFC000  }
0x7d: {  	_ =	swait.ge [sflag:s29], $0x80  }
0x7e: {  	[sflag:s29] =	ssyncset.done $0x0  }
0x7f: {  	[sflag:s29] =	ssyncadd.s32 $0xFFFFFF80  }
0x80: {  	_ =	swait.ge [sflag:s29], $0x80  }
0x81: {  	[sflag:s29] =	ssyncset.done $0x0  }
0x82: {  	[sflag:s29] =	ssyncadd.s32 $0xFFFFFF80  }
0x83: {  	[tilespmem:s25], [sflag:$0x1] =	stream.indirect.gather [hbm4b:s4+s24], $0x80, s24, s24, $0xb8;
	[tilespmem:$0x18300] =	vst v63  }
0x84: {  	_ =	swait.ge [sflag:s26], $0x4000  }
0x85: {  	[sflag:s26] =	ssyncset.done $0x0  }
0x86: {  	[sflag:s26] =	ssyncadd.s32 $0xFFFFC000  }
0x87: {  	[spmem:s1] =	stream.indirect.scatter.add.f32 [tilespmem:s25], [sflag:$0x4], $0x80, s28, s24, $0xb8;
	[tilespmem:$0x18300] =	vst v63  }
0x88: {  	_ =	swait.ge [sflag:s21], $0x4000  }
0x89: {  	[sflag:s21] =	ssyncset.done $0x0  }
0x8a: {  	[sflag:s21] =	ssyncadd.s32 $0xFFFFC000  }
0x8b: {  	[tilespmem:s30], [sflag:$0x4] =	stream.linear.gather [hbm4b:s13+s3], $0x10, $0x38;
	[tilespmem:$0x18300] =	vst v63  }
0x8c: {  	_ =	swait.ge [sflag:s21], $0x10  }
0x8d: {  	[sflag:s21] =	ssyncset.done $0x0  }
0x8e: {  	[sflag:s21] =	ssyncadd.s32 $0xFFFFFFF0  }
0x8f: {  	[tilespmem:s31], [sflag:$0x4] =	stream.linear.gather [hbm4b:s14+s3], $0x10, $0x38;
	[tilespmem:$0x18300] =	vst v63  }
0x90: {  	_ =	swait.ge [sflag:s21], $0x10  }
0x91: {  	[sflag:s21] =	ssyncset.done $0x0  }
0x92: {  	[sflag:s21] =	ssyncadd.s32 $0xFFFFFFF0  }
0x93: {  	[tilespmem:s25], [sflag:$0x1] =	stream.indirect.gather [hbm4b:s4+s0], $0x80, s30, s0, $0xb8;
	[tilespmem:$0x18300] =	vst v63  }
0x94: {  	_ =	swait.ge [sflag:s26], $0x800  }
0x95: {  	[sflag:s26] =	ssyncset.done $0x0  }
0x96: {  	[sflag:s26] =	ssyncadd.s32 $0xFFFFF800  }
0x97: {  	[spmem:s1] =	stream.indirect.scatter.add.f32 [tilespmem:s25], [sflag:$0x4], $0x80, s31, s0, $0xb8;
	[tilespmem:$0x18300] =	vst v63  }
0x98: {  	_ =	swait.ge [sflag:s21], $0x800  }
0x99: {  	s2 =	sadd.s32 $0x1, s2;
	[sflag:s21] =	ssyncset.done $0x0  }
0x9a: {  	p0 =	sne.s32 s2, s16;
	[sflag:s21] =	ssyncadd.s32 $0xFFFFF800  }
.Ltmp1:
0x9b: {  	[bflag:$0x0] =	sbarrier.arrive $0xFFFF;
	(pc) =	sbr.rel @p0 .LBB2_1-.Ltmp1, $4  }
0x9c: {  	[hbm:s15], [sflag:s8] =	dma.local [spmem:s20], $0x2800  }
0x9d: {  	_ =	swait.ge [sflag:s21], $0x2800  }
0x9e: {  	[sflag:s21] =	ssyncset.done $0x0  }
0x9f: {  	[sflag:s21] =	ssyncadd.s32 $0xFFFFD800  }
0xa0: {  	_ =	sfence.sel $0x180000  }
0xa1: {  	[bflag:$0x0] =	sbarrier.arrive $0xFFFF  }
0xa2: {  	_ =	strace $0x9000004A  }
0xa3: {  	s0 =	stileid.u32;
	[bflag:$0x2] =	sbarrier.arrive $0xFFFF  }
0xa4: {  	p0 =	sne.s32 s0, $0x0;
	s0 =	rddreg [dreg:$0x2]  }
0xa5: {  	s0 =	sadd.s32 @!p0 $0x100000, s0  }
0xa6: {  	[sflag:s0] =	ssyncadd.tile.s32 @!p0 $0x1;
	_ =	shalt  }
.Lfunc_end2:
_tile_overlayer_lowered:
.L_overlay_start_2:
0xa7: {  	(tag) =	ssettag $0x2  }
0xa8: {  	s0 =	rddreg [dreg:$0x0];
	s2 =	stileid.u32  }
0xa9: {  	s1 =	rddreg [dreg:$0x1];
	p0 =	sne.s32 s2, $0x0  }
0xaa: {  	s3 =	rddreg [dreg:$0x2];
	[bflag:$0x3] =	sbarrier.arrive $0xFFFF;
	s2 =	simm.s32 @!p0 $0x1C04  }
0xab: {  	[timem:s3], [sflag:s2] =	dma.local @!p0 [hbm:s0], s1  }
0xac: {  	s0 =	simm.s32 @!p0 $0x4  }
0xad: {  	_ =	swait.ge @!p0 [sflag:s0], s1  }
0xae: {  	s1 =	ssub.s32 @!p0 $0x0, s1;
	[sflag:s0] =	ssyncset.done @!p0 $0x0  }
0xaf: {  	[sflag:s0] =	ssyncadd.s32 @!p0 s1  }
0xb0: {  	[bflag:$0x3] =	sbarrier.arrive $0xFFFF  }
0xb1: {  	_ =	shalt  }

// kernel: kernel.14.cloned.1.call-start
scs
__scs_entry_jumppad:
0x0: {  	(pc) =	sbr.rel $0x88, $3  }
0x1: {  	(tag) =	ssettag $0x0;
	lr =	simm.s32 $0x1  }
0x2: {  	[smem:$0x3F98] =	sst lr;
	_ =	strace $0xD0000000  }
0x3: {  	_ = 	snop  }
0x4: {  	_ = 	snop  }
0x5: {  	_ = 	snop  }
0x6: {  	_ = 	snop  }
0x7: {  	_ = 	snop  }
__scs_overlays_trampoline_lowered:
0x8: {  	[smem:$0x3FA7] =	sst s0  }
0x9: {  	[smem:$0x3FA8] =	sst s1  }
0xa: {  	[smem:$0x3FA9] =	sst s2  }
0xb: {  	[smem:$0x3FAA] =	sst s3  }
0xc: {  	[smem:$0x3FAB] =	sst s4  }
0xd: {  	[smem:$0x3FAC] =	sst s5  }
0xe: {  	[smem:$0x3FAD] =	sst s6  }
0xf: {  	[smem:$0x3FAE] =	sst s7  }
0x10: {  	[smem:$0x3FAF] =	sst s8  }
0x11: {  	[smem:$0x3FB0] =	sst s9;
	s0 =	simm.s32 @!p0 $0x0  }
0x12: {  	s1 =	sld [smem:$0x3F96];
	s0 =	simm.s32 @p0 $0x1  }
0x13: {  	[smem:$0x3FB1] =	sst s0;
	s0 =	simm.s32 @!p1 $0x0  }
0x14: {  	s2 =	sld [smem:$0x3F95];
	s0 =	simm.s32 @p1 $0x1  }
0x15: {  	[smem:$0x3FB2] =	sst s0;
	s0 =	simm.s32 @!p2 $0x0  }
0x16: {  	s3 =	sld [smem:$0x3FDB];
	s0 =	simm.s32 @p2 $0x1  }
0x17: {  	s4 =	simm.s32 $0x1BF5;
	[smem:$0x3FB4] =	sst s0  }
0x18: {  	s0 =	sld [smem:$0x3F97];
	_ =	swait.ge [sflag:s4], $0x0  }
0x19: {  	s7 =	sld [smem:$0x3F98]  }
0x1a: {  	s8 =	sadd.s32 $0xFFFFE003, lr  }
0x1b: {  	s9 =	sadd.s32 $0xFFFFFEF7, lr;
	s5 =	simm.s32 $0xFFFFFFFF;
	p2 =	slt.u32 s8, $0xFFFFF086  }
0x1c: {  	p1 =	slt.u32 s9, $0xF7A;
	s5 =	simm.s32 @!p2 $0x0  }
0x1d: {  	s5 =	simm.s32 @p1 $0x1;
	p0 =	seq.s32 s7, s2  }
0x1e: {  	s7 =	smul.u32 @!p0 $0xF7A, s2;
	p2 =	seq.s32 @!p0 s5, $0x0  }
0x1f: {  	s9 =	smul.u32 $0xF7A, s1;
	s8 =	simm.s32 @!p0 $0x1BF5;
	p2 =	por !p2, p0  }
0x20: {  	[sflag:s8] =	ssyncset.s32 @!p0 $0xFFFFF086;
	s6 =	sadd.s32 @!p0 s3, s7;
	s7 =	simm.s32 @!p0 $0x108  }
0x21: {  	s3 =	sadd.s32 s3, s9;
	s6 =	sadd.s32 @!p0 $0x88, s6;
	s7 =	simm.s32 @p2 $0x1082  }
0x22: {  	[simem:s7], [sflag:s8] =	dma.local @!p0 [hbm:s6], $0xF7A  }
0x23: {  	s9 =	sor.u32 $0xD0000000, s2;
	s6 =	simm.s32 $0x108;
	_ =	swait.ge @!p0 [sflag:s8], $0x0  }
0x24: {  	s3 =	sadd.s32 $0x88, s3;
	s6 =	simm.s32 @!p1 $0x1082;
	[sflag:s4] =	ssyncset.s32 $0xFFFFF086  }
0x25: {  	[simem:s6], [sflag:s4] =	dma.local [hbm:s3], $0xF7A  }
0x26: {  	[smem:$0x3F98] =	sst s1;
	(tag) =	ssettag s2;
	_ =	strace s9  }
0x27: {  	s1 =	sld [smem:$0x3FA8]  }
0x28: {  	s2 =	sld [smem:$0x3FA9]  }
0x29: {  	s4 =	sld [smem:$0x3FAB]  }
0x2a: {  	p0 =	seq.s32 s5, $0x0;
	s5 =	sld [smem:$0x3FAC]  }
0x2b: {  	s6 =	sld [smem:$0x3FAD]  }
0x2c: {  	s7 =	sld [smem:$0x3FAE]  }
0x2d: {  	s3 =	simm.s32 $0x108;
	s8 =	sld [smem:$0x3FAF]  }
0x2e: {  	s3 =	simm.s32 @!p0 $0x1082;
	s9 =	sld [smem:$0x3FB0]  }
0x2f: {  	lr =	sadd.s32 s0, s3;
	s0 =	sld [smem:$0x3FA7]  }
0x30: {  	s3 =	sld [smem:$0x3FAA]  }
0x31: {  	[smem:$0x3FB3] =	sst s10  }
0x32: {  	s10 =	sld [smem:$0x3FB1];
	_ =	sdelay $0x3  }
0x33: {  	p0 =	seq.s32 s10, $0x1;
	s10 =	sld [smem:$0x3FB3];
	_ =	sdelay $0x3  }
0x34: {  	[smem:$0x3FB3] =	sst s10  }
0x35: {  	s10 =	sld [smem:$0x3FB2];
	_ =	sdelay $0x3  }
0x36: {  	p1 =	seq.s32 s10, $0x1;
	s10 =	sld [smem:$0x3FB3];
	_ =	sdelay $0x3  }
0x37: {  	[smem:$0x3FB3] =	sst s10  }
0x38: {  	s10 =	sld [smem:$0x3FB4]  }
0x39: {  	_ = 	snop;
	(pc) =	sbr.ind lr, $3  }
0x3a: {  	_ = 	snop  }
0x3b: {  	_ = 	snop  }
0x3c: {  	p2 =	seq.s32 s10, $0x1;
	s10 =	sld [smem:$0x3FB3]  }
0x3d: {  	_ =	shalt  }
0x3e: {  	_ =	shalt  }
0x3f: {  	_ =	shalt  }
0x40: {  	_ =	shalt  }
0x41: {  	_ =	shalt  }
0x42: {  	_ =	shalt  }
0x43: {  	_ =	shalt  }
0x44: {  	_ =	shalt  }
0x45: {  	_ =	shalt  }
0x46: {  	_ =	shalt  }
0x47: {  	_ =	shalt  }
0x48: {  	_ =	shalt  }
0x49: {  	_ =	shalt  }
0x4a: {  	_ =	shalt  }
0x4b: {  	_ =	shalt  }
0x4c: {  	_ =	shalt  }
0x4d: {  	_ =	shalt  }
0x4e: {  	_ =	shalt  }
0x4f: {  	_ =	shalt  }
0x50: {  	_ =	shalt  }
0x51: {  	_ =	shalt  }
0x52: {  	_ =	shalt  }
0x53: {  	_ =	shalt  }
0x54: {  	_ =	shalt  }
0x55: {  	_ =	shalt  }
0x56: {  	_ =	shalt  }
0x57: {  	_ =	shalt  }
0x58: {  	_ =	shalt  }
0x59: {  	_ =	shalt  }
0x5a: {  	_ =	shalt  }
0x5b: {  	_ =	shalt  }
0x5c: {  	_ =	shalt  }
0x5d: {  	_ =	shalt  }
0x5e: {  	_ =	shalt  }
0x5f: {  	_ =	shalt  }
0x60: {  	_ =	shalt  }
0x61: {  	_ =	shalt  }
0x62: {  	_ =	shalt  }
0x63: {  	_ =	shalt  }
0x64: {  	_ =	shalt  }
0x65: {  	_ =	shalt  }
0x66: {  	_ =	shalt  }
0x67: {  	_ =	shalt  }
0x68: {  	_ =	shalt  }
0x69: {  	_ =	shalt  }
0x6a: {  	_ =	shalt  }
0x6b: {  	_ =	shalt  }
0x6c: {  	_ =	shalt  }
0x6d: {  	_ =	shalt  }
0x6e: {  	_ =	shalt  }
0x6f: {  	_ =	shalt  }
0x70: {  	_ =	shalt  }
0x71: {  	_ =	shalt  }
0x72: {  	_ =	shalt  }
0x73: {  	_ =	shalt  }
0x74: {  	_ =	shalt  }
0x75: {  	_ =	shalt  }
0x76: {  	_ =	shalt  }
0x77: {  	_ =	shalt  }
0x78: {  	_ =	shalt  }
0x79: {  	_ =	shalt  }
0x7a: {  	_ =	shalt  }
0x7b: {  	_ =	shalt  }
0x7c: {  	_ =	shalt  }
0x7d: {  	_ =	shalt  }
0x7e: {  	_ =	shalt  }
0x7f: {  	_ =	shalt  }
0x80: {  	_ =	shalt  }
0x81: {  	_ =	shalt  }
0x82: {  	_ =	shalt  }
0x83: {  	_ =	shalt  }
0x84: {  	_ =	shalt  }
0x85: {  	_ =	shalt  }
0x86: {  	_ =	shalt  }
0x87: {  	_ =	shalt  }
.Lfunc_end0:
.L_simem_size_0:
called_computation.2_lowered:
.L_overlay_start_0:
0x88: {  	s2 =	sld [smem:$0x3FD9]  }
0x89: {  	s3 =	sld [smem:$0x3FFE];
	_ =	sdelay $0x1  }
0x8a: {  	s1 =	srdreg.scid  }
0x8b: {  	s0 =	sand.u32 $0x1, s1  }
0x8c: {  	s16 =	sshll.u32 s0, $0xA;
	s2 =	sadd.s32 s3, s2  }
0x8d: {  	s2 =	sadd.s32 s2, s16  }
0x8e: {  	[smem:$0x3FBF] =	sst s2  }
0x8f: {  	_ = 	snop  }
0x90: {  	(tm) =	ssettm $0x1  }
0x91: {  	s17 =	sld [smem:$0x3FFB];
	_ =	sdelay $0x3  }
0x92: {  	_ =	strace s17  }
0x93: {  	s2 =	sld [smem:$0x3FFC];
	_ =	sdelay $0x3  }
0x94: {  	_ =	strace s2  }
0x95: {  	s2 =	sld [smem:$0x3FFD];
	_ =	sdelay $0x3  }
0x96: {  	_ =	strace s2  }
0x97: {  	_ =	strace $0x8FFFFFFF  }
0x98: {  	s18 =	sld [smem:$0x3FDB];
	_ =	sdelay $0x1  }
0x99: {  	s19 =	simm.s32 $_scs_section_size  }
0x9a: {  	s4 =	simm.s32 $_size__tile_overlayer_lowered;
	s5 =	simm.s32 $_tile_overlayer_lowered  }
0x9b: {  	s22 =	simm.s32 $0x1BFF;
	s21 =	sshll.u32 s5, $0x1;
	s2 =	sadd.s32 s19, s18  }
0x9c: {  	s6 =	simm.s32 $0x0;
	s20 =	sshll.u32 s4, $0x1;
	s4 =	sadd.s32 s21, s2  }
0x9d: {  	[timem:s6], [sflag:s22] =	dma.local [hbm:s4], s20  }
0x9e: {  	_ =	swait.ge [sflag:s22], s20  }
0x9f: {  	s3 =	ssub.s32 $0x0, s20;
	[sflag:s22] =	ssyncset.done $0x0  }
0xa0: {  	[sflag:s22] =	ssyncadd.s32 s3;
	_ =	sdelay $0x1  }
0xa1: {  	s23 =	simm.s32 $0x1B8B  }
0xa2: {  	_ =	swait.ge [sflag:s23], $0x1  }
0xa3: {  	[sflag:s23] =	ssyncset.done $0x0  }
0xa4: {  	s25 =	simm.s32 $0x1B8E;
	s24 =	sld [smem:$0x3FFE];
	[sflag:s23] =	ssyncadd.s32 $0xFFFFFFFF  }
0xa5: {  	s26 =	simm.s32 $execute0_lowered;
	[smem:$0x3FD2] =	sst s25  }
0xa6: {  	s4 =	sshll.u32 s26, $0x1;
	_ =	strace $0x8000004C;
	[dreg:$0x1] =	wrdreg $0xFFFFFFFF  }
0xa7: {  	s28 =	simm.s32 $_size_execute0_lowered;
	s2 =	sadd.s32 s2, s4;
	[dreg:$0x0] =	wrdreg $0x0  }
0xa8: {  	s4 =	sshll.u32 s28, $0x1;
	[dreg:$0x2] =	wrdreg s2  }
0xa9: {  	[dreg:$0x3] =	wrdreg s4  }
0xaa: {  	[dreg:$0x4] =	wrdreg $0xC0  }
0xab: {  	_ =	task [dreg:s6], $0x5FFFF  }
0xac: {  	[dreg:$0x1] =	wrdreg $0xFFFFFFFF  }
0xad: {  	[dreg:$0x0] =	wrdreg $0x60  }
0xae: {  	[dreg:$0x2] =	wrdreg s24  }
0xaf: {  	[dreg:$0x3] =	wrdreg $0x43000  }
0xb0: {  	[dreg:$0x4] =	wrdreg $0x9  }
0xb1: {  	_ =	task.clear_ibuf [dreg:s6], $0x5FFFF;
	_ =	strace $0x9000004C  }
0xb2: {  	s29 =	simm.s32 $0x9;
	_ =	strace $0x8000004E  }
0xb3: {  	_ =	swait.ge [sflag:s29], $0x1  }
0xb4: {  	[sflag:s29] =	ssyncadd.s32 $0xFFFFFFFF  }
0xb5: {  	_ =	strace $0x9000004E  }
0xb6: {  	_ =	sfence  }
0xb7: {  	s30 =	sld [smem:$0x0];
	_ =	sdelay $0x2  }
0xb8: {  	s31 =	sshll.u32 s1, $0xD;
	s1 =	sshrl.u32 s1, $0x2  }
0xb9: {  	s3 =	sand.u32 $0x4000, s31;
	s1 =	sadd.s32 s1, s30  }
0xba: {  	s0 =	sor.u32 s3, s0;
	s1 =	sshll.u32 s1, $0x11  }
0xbb: {  	s0 =	sor.u32 s1, s0  }
0xbc: {  	s0 =	sadd.s32 $0x8F2B, s0  }
0xbd: {  	[sflag:s0] =	ssyncadd.remote.s32 $0x1  }
0xbe: {  	_ =	sfence.sel $0xFFFF  }
0xbf: {  	[dreg:$0x0] =	wrdreg $0xFFFFFFFF;
	(pc) =	sbr.abs _section_cstart, $3  }
0xc0: {  	[dreg:$0x1] =	wrdreg $0xFFFFFFFF  }
0xc1: {  	_ =	task.clear_ibuf [dreg:s6], $0x2FFFF;
	_ =	strace $0x9FFFFFFF  }
0xc2: {  	(tm) =	ssettm $0x7FFFFFFF  }
0xc3: {  	_ =	shalt  }
tec
execute0_lowered:
.L_overlay_start_1:
0x0: {  	(tag) =	ssettag $0x1  }
0x1: {  	s0 =	rddreg [dreg:$0x0]  }
0x2: {  	s1 =	rddreg [dreg:$0x1];
	s2 =	srdreg.scid;
	s3 =	simm.s32 $0x0  }
0x3: {  	s12 =	stileid.u32;
	s28 =	simm.s32 $0x180;
	s29 =	simm.s32 $0x3  }
0x4: {  	s30 =	simm.s32 $0x200;
	s31 =	simm.s32 $0x280;
	s2 =	sand.u32 $0x1, s2  }
0x5: {  	[smem:$0x7FF] =	sst s3;
	s8 =	smul.u32 $0x14000, s12;
	s4 =	sadd.s32 $0x16400, s0  }
0x6: {  	s5 =	sadd.s32 $0x2800, s0;
	s6 =	sadd.s32 $0xC600, s0;
	s17 =	smul.u32 $0x50000, s12  }
0x7: {  	s9 =	sadd.s32 $0x3E400, s0;
	s16 =	sshll.u32 s12, $0x1;
	s14 =	smul.u32 $0x4E20, s12  }
0x8: {  	s20 =	sshll.u32 s12, $0x6;
	s7 =	smul.u32 $0x140000, s2;
	s18 =	ssub.s32 $0x2, s2  }
0x9: {  	_ =	strace $0x8000004D;
	[dreg:$0x3] =	wrdreg s9;
	s10 =	sshrl.u32 s18, $0x1  }
0xa: {  	s19 =	sshrl.u32 s17, $0x2;
	s7 =	sadd.s32 s8, s7;
	s8 =	sor.u32 s2, s16  }
0xb: {  	s17 =	sadd.s32 s19, s1;
	s2 =	smul.u32 $0x2710, s2;
	s7 =	sshrl.u32 s7, $0x3  }
0xc: {  	s11 =	smul.u32 $0x2710, s8;
	s8 =	sor.u32 $0x1C04, s20;
	s20 =	sshrl.u32 s17, $0x3  }
0xd: {  	s0 =	sadd.s32 s7, s0;
	s7 =	ssub.s32 s18, s10;
	s2 =	sadd.s32 s2, s14  }
0xe: {  	s21 =	sshrl.u32 s11, $0x3;
	s15 =	sadd.s32 $0x40C00, s0;
	s26 =	sadd.s32 $0x80, s2  }
0xf: {  	s16 =	smax.u32 s7, $0x1;
	s22 =	sadd.s32 s5, s21;
	s23 =	sadd.s32 $0x4D0, s21  }
0x10: {  	s24 =	sadd.s32 s6, s21;
	s9 =	sadd.s32 $0x4E0, s21;
	s0 =	sshrl.u32 s26, $0x3  }
0x11: {  	s21 =	simm.s32 $0x4;
	s26 =	simm.s32 $0x1;
	[dreg:$0x4] =	wrdreg s22  }
0x12: {  	[dreg:$0x5] =	wrdreg s24;
	s25 =	sadd.s32 s5, s23;
	s12 =	sadd.s32 s6, s23  }
0x13: {  	s13 =	sadd.s32 s5, s9;
	s14 =	sadd.s32 s6, s9;
	s9 =	sadd.s32 $0x100, s2  }
0x14: {  	s18 =	sadd.s32 s0, s6;
	s19 =	sadd.s32 s0, s5;
	s22 =	simm.s32 $0x100  }
0x15: {  	s23 =	simm.s32 $0x2;
	s24 =	simm.s32 $0x80;
	s0 =	simm.s32 $0x10  }
0x16: {  	s2 =	simm.s32 $0x0;
	[dreg:$0x6] =	wrdreg s25;
	s25 =	simm.s32 $0x300  }
.LBB2_1:
0x17: {  	s7 =	rddreg [dreg:$0x3]  }
0x18: {  	[spmem:s20], [sflag:s8] =	dma.local [hbm:s7], $0x2800  }
0x19: {  	_ =	swait.ge [sflag:s21], $0x2800  }
0x1a: {  	[sflag:s21] =	ssyncset.done $0x0  }
0x1b: {  	[sflag:s21] =	ssyncadd.s32 $0xFFFFD800  }
0x1c: {  	[bflag:$0x0] =	sbarrier.arrive $0xFFFF  }
0x1d: {  	s10 =	rddreg [dreg:$0x4]  }
0x1e: {  	[tilespmem:s3], [sflag:$0x2] =	stream.linear.gather [hbm4b:s10+s3], $0x80, $0x38;
	[tilespmem:$0x18300] =	vst v63  }
0x1f: {  	s11 =	rddreg [dreg:$0x5]  }
0x20: {  	[tilespmem:s22], [sflag:$0x2] =	stream.linear.gather [hbm4b:s11+s3], $0x80, $0x38;
	[tilespmem:$0x18300] =	vst v63  }
0x21: {  	_ =	swait.ge [sflag:s23], $0x80  }
0x22: {  	[sflag:s23] =	ssyncset.done $0x0  }
0x23: {  	[sflag:s23] =	ssyncadd.s32 $0xFFFFFF80  }
0x24: {  	_ =	swait.ge [sflag:s23], $0x80  }
0x25: {  	[sflag:s23] =	ssyncset.done $0x0  }
0x26: {  	[sflag:s23] =	ssyncadd.s32 $0xFFFFFF80  }
0x27: {  	[tilespmem:s25], [sflag:$0x1] =	stream.indirect.gather [hbm4b:s4+s24], $0x80, s3, s24, $0xb8;
	[tilespmem:$0x18300] =	vst v63  }
0x28: {  	_ =	swait.ge [sflag:s26], $0x4000  }
0x29: {  	[sflag:s26] =	ssyncset.done $0x0  }
0x2a: {  	s17 =	sadd.s32 $0x0, s19;
	[sflag:s26] =	ssyncadd.s32 $0xFFFFC000  }
0x2b: {  	[tilespmem:s24], [sflag:$0x3] =	stream.linear.gather [hbm4b:s17+s3], $0x80, $0x38;
	[tilespmem:$0x18300] =	vst v63  }
0x2c: {  	s10 =	sadd.s32 $0x0, s18  }
0x2d: {  	[tilespmem:s28], [sflag:$0x3] =	stream.linear.gather [hbm4b:s10+s3], $0x80, $0x38;
	[tilespmem:$0x18300] =	vst v63  }
0x2e: {  	_ = 	snop  }
0x2f: {  	[spmem:s1] =	stream.indirect.scatter.add.f32 [tilespmem:s25], [sflag:$0x4], $0x80, s22, s24, $0xb8;
	[tilespmem:$0x18300] =	vst v63  }
0x30: {  	_ =	swait.ge [sflag:s21], $0x4000  }
0x31: {  	[sflag:s21] =	ssyncset.done $0x0  }
0x32: {  	[sflag:s21] =	ssyncadd.s32 $0xFFFFC000  }
0x33: {  	_ =	swait.ge [sflag:s29], $0x80  }
0x34: {  	[sflag:s29] =	ssyncset.done $0x0  }
0x35: {  	[sflag:s29] =	ssyncadd.s32 $0xFFFFFF80  }
0x36: {  	_ =	swait.ge [sflag:s29], $0x80  }
0x37: {  	[sflag:s29] =	ssyncset.done $0x0  }
0x38: {  	[sflag:s29] =	ssyncadd.s32 $0xFFFFFF80  }
0x39: {  	[tilespmem:s25], [sflag:$0x1] =	stream.indirect.gather [hbm4b:s4+s24], $0x80, s24, s24, $0xb8;
	[tilespmem:$0x18300] =	vst v63  }
0x3a: {  	_ =	swait.ge [sflag:s26], $0x4000  }
0x3b: {  	s11 =	sshrl.u32 s9, $0x3;
	[sflag:s26] =	ssyncset.done $0x0  }
0x3c: {  	s17 =	sadd.s32 s5, s11;
	[sflag:s26] =	ssyncadd.s32 $0xFFFFC000  }
0x3d: {  	[tilespmem:s3], [sflag:$0x2] =	stream.linear.gather [hbm4b:s17+s3], $0x80, $0x38;
	[tilespmem:$0x18300] =	vst v63  }
0x3e: {  	s7 =	sadd.s32 s6, s11  }
0x3f: {  	[tilespmem:s22], [sflag:$0x2] =	stream.linear.gather [hbm4b:s7+s3], $0x80, $0x38;
	[tilespmem:$0x18300] =	vst v63  }
0x40: {  	_ = 	snop  }
0x41: {  	[spmem:s1] =	stream.indirect.scatter.add.f32 [tilespmem:s25], [sflag:$0x4], $0x80, s28, s24, $0xb8;
	[tilespmem:$0x18300] =	vst v63  }
0x42: {  	_ =	swait.ge [sflag:s21], $0x4000  }
0x43: {  	s17 =	smov.u32 s9;
	s7 =	simm.s32 $0x20;
	[sflag:s21] =	ssyncset.done $0x0  }
.LBB2_2:
0x44: {  	p0 =	sne.s32 s7, $0x4A0;
	[sflag:s21] =	ssyncadd.s32 $0xFFFFC000;
	s17 =	sadd.s32 $0x100, s17  }
0x45: {  	s10 =	smov.u32 s7;
	s7 =	sadd.s32 $0x20, s7  }
0x46: {  	_ =	swait.ge [sflag:s23], $0x80  }
0x47: {  	[sflag:s23] =	ssyncset.done $0x0  }
0x48: {  	[sflag:s23] =	ssyncadd.s32 $0xFFFFFF80  }
0x49: {  	_ =	swait.ge [sflag:s23], $0x80  }
0x4a: {  	[sflag:s23] =	ssyncset.done $0x0  }
0x4b: {  	[sflag:s23] =	ssyncadd.s32 $0xFFFFFF80  }
0x4c: {  	[tilespmem:s25], [sflag:$0x1] =	stream.indirect.gather [hbm4b:s4+s24], $0x80, s3, s24, $0xb8;
	[tilespmem:$0x18300] =	vst v63  }
0x4d: {  	_ =	swait.ge [sflag:s26], $0x4000  }
0x4e: {  	[sflag:s26] =	ssyncset.done $0x0  }
0x4f: {  	s11 =	sadd.s32 s10, s19;
	[sflag:s26] =	ssyncadd.s32 $0xFFFFC000  }
0x50: {  	[tilespmem:s24], [sflag:$0x3] =	stream.linear.gather [hbm4b:s11+s3], $0x80, $0x38;
	[tilespmem:$0x18300] =	vst v63  }
0x51: {  	s10 =	sadd.s32 s10, s18  }
0x52: {  	[tilespmem:s28], [sflag:$0x3] =	stream.linear.gather [hbm4b:s10+s3], $0x80, $0x38;
	[tilespmem:$0x18300] =	vst v63  }
0x53: {  	_ = 	snop  }
0x54: {  	[spmem:s1] =	stream.indirect.scatter.add.f32 [tilespmem:s25], [sflag:$0x4], $0x80, s22, s24, $0xb8;
	[tilespmem:$0x18300] =	vst v63  }
0x55: {  	_ =	swait.ge [sflag:s21], $0x4000  }
0x56: {  	[sflag:s21] =	ssyncset.done $0x0  }
0x57: {  	[sflag:s21] =	ssyncadd.s32 $0xFFFFC000  }
0x58: {  	_ =	swait.ge [sflag:s29], $0x80  }
0x59: {  	[sflag:s29] =	ssyncset.done $0x0  }
0x5a: {  	[sflag:s29] =	ssyncadd.s32 $0xFFFFFF80  }
0x5b: {  	_ =	swait.ge [sflag:s29], $0x80  }
0x5c: {  	[sflag:s29] =	ssyncset.done $0x0  }
0x5d: {  	[sflag:s29] =	ssyncadd.s32 $0xFFFFFF80  }
0x5e: {  	[tilespmem:s25], [sflag:$0x1] =	stream.indirect.gather [hbm4b:s4+s24], $0x80, s24, s24, $0xb8;
	[tilespmem:$0x18300] =	vst v63  }
0x5f: {  	_ =	swait.ge [sflag:s26], $0x4000  }
0x60: {  	s10 =	sshrl.u32 s17, $0x3;
	[sflag:s26] =	ssyncset.done $0x0  }
0x61: {  	s11 =	sadd.s32 s5, s10;
	[sflag:s26] =	ssyncadd.s32 $0xFFFFC000  }
0x62: {  	[tilespmem:s3], [sflag:$0x2] =	stream.linear.gather [hbm4b:s11+s3], $0x80, $0x38;
	[tilespmem:$0x18300] =	vst v63  }
0x63: {  	s10 =	sadd.s32 s6, s10  }
0x64: {  	[tilespmem:s22], [sflag:$0x2] =	stream.linear.gather [hbm4b:s10+s3], $0x80, $0x38;
	[tilespmem:$0x18300] =	vst v63  }
.Ltmp0:
0x65: {  	_ = 	snop;
	(pc) =	sbr.rel @p0 .LBB2_2-.Ltmp0, $4  }
0x66: {  	_ = 	snop  }
0x67: {  	[spmem:s1] =	stream.indirect.scatter.add.f32 [tilespmem:s25], [sflag:$0x4], $0x80, s28, s24, $0xb8;
	[tilespmem:$0x18300] =	vst v63  }
0x68: {  	_ =	swait.ge [sflag:s21], $0x4000  }
0x69: {  	[sflag:s21] =	ssyncset.done $0x0  }
0x6a: {  	[sflag:s21] =	ssyncadd.s32 $0xFFFFC000  }
0x6b: {  	_ =	swait.ge [sflag:s23], $0x80  }
0x6c: {  	[sflag:s23] =	ssyncset.done $0x0  }
0x6d: {  	[sflag:s23] =	ssyncadd.s32 $0xFFFFFF80  }
0x6e: {  	_ =	swait.ge [sflag:s23], $0x80  }
0x6f: {  	[sflag:s23] =	ssyncset.done $0x0  }
0x70: {  	[sflag:s23] =	ssyncadd.s32 $0xFFFFFF80  }
0x71: {  	[tilespmem:s25], [sflag:$0x1] =	stream.indirect.gather [hbm4b:s4+s24], $0x80, s3, s24, $0xb8;
	[tilespmem:$0x18300] =	vst v63  }
0x72: {  	_ =	swait.ge [sflag:s26], $0x4000  }
0x73: {  	[sflag:s26] =	ssyncset.done $0x0  }
0x74: {  	s7 =	rddreg [dreg:$0x6];
	[sflag:s26] =	ssyncadd.s32 $0xFFFFC000  }
0x75: {  	[tilespmem:s24], [sflag:$0x3] =	stream.linear.gather [hbm4b:s7+s3], $0x80, $0x38;
	[tilespmem:$0x18300] =	vst v63  }
0x76: {  	_ = 	snop  }
0x77: {  	[tilespmem:s28], [sflag:$0x3] =	stream.linear.gather [hbm4b:s12+s3], $0x80, $0x38;
	[tilespmem:$0x18300] =	vst v63  }
0x78: {  	_ = 	snop  }
0x79: {  	[spmem:s1] =	stream.indirect.scatter.add.f32 [tilespmem:s25], [sflag:$0x4], $0x80, s22, s24, $0xb8;
	[tilespmem:$0x18300] =	vst v63  }
0x7a: {  	_ =	swait.ge [sflag:s21], $0x4000  }
0x7b: {  	[sflag:s21] =	ssyncset.done $0x0  }
0x7c: {  	[sflag:s21] =	ssyncadd.s32 $0xFFFFC000  }
0x7d: {  	_ =	swait.ge [sflag:s29], $0x80  }
0x7e: {  	[sflag:s29] =	ssyncset.done $0x0  }
0x7f: {  	[sflag:s29] =	ssyncadd.s32 $0xFFFFFF80  }
0x80: {  	_ =	swait.ge [sflag:s29], $0x80  }
0x81: {  	[sflag:s29] =	ssyncset.done $0x0  }
0x82: {  	[sflag:s29] =	ssyncadd.s32 $0xFFFFFF80  }
0x83: {  	[tilespmem:s25], [sflag:$0x1] =	stream.indirect.gather [hbm4b:s4+s24], $0x80, s24, s24, $0xb8;
	[tilespmem:$0x18300] =	vst v63  }
0x84: {  	_ =	swait.ge [sflag:s26], $0x4000  }
0x85: {  	[sflag:s26] =	ssyncset.done $0x0  }
0x86: {  	[sflag:s26] =	ssyncadd.s32 $0xFFFFC000  }
0x87: {  	[spmem:s1] =	stream.indirect.scatter.add.f32 [tilespmem:s25], [sflag:$0x4], $0x80, s28, s24, $0xb8;
	[tilespmem:$0x18300] =	vst v63  }
0x88: {  	_ =	swait.ge [sflag:s21], $0x4000  }
0x89: {  	[sflag:s21] =	ssyncset.done $0x0  }
0x8a: {  	[sflag:s21] =	ssyncadd.s32 $0xFFFFC000  }
0x8b: {  	[tilespmem:s30], [sflag:$0x4] =	stream.linear.gather [hbm4b:s13+s3], $0x10, $0x38;
	[tilespmem:$0x18300] =	vst v63  }
0x8c: {  	_ =	swait.ge [sflag:s21], $0x10  }
0x8d: {  	[sflag:s21] =	ssyncset.done $0x0  }
0x8e: {  	[sflag:s21] =	ssyncadd.s32 $0xFFFFFFF0  }
0x8f: {  	[tilespmem:s31], [sflag:$0x4] =	stream.linear.gather [hbm4b:s14+s3], $0x10, $0x38;
	[tilespmem:$0x18300] =	vst v63  }
0x90: {  	_ =	swait.ge [sflag:s21], $0x10  }
0x91: {  	[sflag:s21] =	ssyncset.done $0x0  }
0x92: {  	[sflag:s21] =	ssyncadd.s32 $0xFFFFFFF0  }
0x93: {  	[tilespmem:s25], [sflag:$0x1] =	stream.indirect.gather [hbm4b:s4+s0], $0x80, s30, s0, $0xb8;
	[tilespmem:$0x18300] =	vst v63  }
0x94: {  	_ =	swait.ge [sflag:s26], $0x800  }
0x95: {  	[sflag:s26] =	ssyncset.done $0x0  }
0x96: {  	[sflag:s26] =	ssyncadd.s32 $0xFFFFF800  }
0x97: {  	[spmem:s1] =	stream.indirect.scatter.add.f32 [tilespmem:s25], [sflag:$0x4], $0x80, s31, s0, $0xb8;
	[tilespmem:$0x18300] =	vst v63  }
0x98: {  	_ =	swait.ge [sflag:s21], $0x800  }
0x99: {  	s2 =	sadd.s32 $0x1, s2;
	[sflag:s21] =	ssyncset.done $0x0  }
0x9a: {  	p0 =	sne.s32 s2, s16;
	[sflag:s21] =	ssyncadd.s32 $0xFFFFF800  }
.Ltmp1:
0x9b: {  	[bflag:$0x0] =	sbarrier.arrive $0xFFFF;
	(pc) =	sbr.rel @p0 .LBB2_1-.Ltmp1, $4  }
0x9c: {  	[hbm:s15], [sflag:s8] =	dma.local [spmem:s20], $0x2800  }
0x9d: {  	_ =	swait.ge [sflag:s21], $0x2800  }
0x9e: {  	[sflag:s21] =	ssyncset.done $0x0  }
0x9f: {  	[sflag:s21] =	ssyncadd.s32 $0xFFFFD800  }
0xa0: {  	_ =	sfence.sel $0x180000  }
0xa1: {  	[bflag:$0x0] =	sbarrier.arrive $0xFFFF  }
0xa2: {  	_ =	strace $0x9000004D  }
0xa3: {  	s0 =	stileid.u32;
	[bflag:$0x2] =	sbarrier.arrive $0xFFFF  }
0xa4: {  	p0 =	sne.s32 s0, $0x0;
	s0 =	rddreg [dreg:$0x2]  }
0xa5: {  	s0 =	sadd.s32 @!p0 $0x100000, s0  }
0xa6: {  	[sflag:s0] =	ssyncadd.tile.s32 @!p0 $0x1;
	_ =	shalt  }
.Lfunc_end2:
_tile_overlayer_lowered:
.L_overlay_start_2:
0xa7: {  	(tag) =	ssettag $0x2  }
0xa8: {  	s0 =	rddreg [dreg:$0x0];
	s2 =	stileid.u32  }
0xa9: {  	s1 =	rddreg [dreg:$0x1];
	p0 =	sne.s32 s2, $0x0  }
0xaa: {  	s3 =	rddreg [dreg:$0x2];
	[bflag:$0x3] =	sbarrier.arrive $0xFFFF;
	s2 =	simm.s32 @!p0 $0x1C04  }
0xab: {  	[timem:s3], [sflag:s2] =	dma.local @!p0 [hbm:s0], s1  }
0xac: {  	s0 =	simm.s32 @!p0 $0x4  }
0xad: {  	_ =	swait.ge @!p0 [sflag:s0], s1  }
0xae: {  	s1 =	ssub.s32 @!p0 $0x0, s1;
	[sflag:s0] =	ssyncset.done @!p0 $0x0  }
0xaf: {  	[sflag:s0] =	ssyncadd.s32 @!p0 s1  }
0xb0: {  	[bflag:$0x3] =	sbarrier.arrive $0xFFFF  }
0xb1: {  	_ =	shalt  }

// kernel: kernel.8.cloned.1.call-start
scs
__scs_entry_jumppad:
0x0: {  	(pc) =	sbr.rel $0x88, $3  }
0x1: {  	(tag) =	ssettag $0x0;
	lr =	simm.s32 $0x1  }
0x2: {  	[smem:$0x3F98] =	sst lr;
	_ =	strace $0xD0000000  }
0x3: {  	_ = 	snop  }
0x4: {  	_ = 	snop  }
0x5: {  	_ = 	snop  }
0x6: {  	_ = 	snop  }
0x7: {  	_ = 	snop  }
__scs_overlays_trampoline_lowered:
0x8: {  	[smem:$0x3FA7] =	sst s0  }
0x9: {  	[smem:$0x3FA8] =	sst s1  }
0xa: {  	[smem:$0x3FA9] =	sst s2  }
0xb: {  	[smem:$0x3FAA] =	sst s3  }
0xc: {  	[smem:$0x3FAB] =	sst s4  }
0xd: {  	[smem:$0x3FAC] =	sst s5  }
0xe: {  	[smem:$0x3FAD] =	sst s6  }
0xf: {  	[smem:$0x3FAE] =	sst s7  }
0x10: {  	[smem:$0x3FAF] =	sst s8  }
0x11: {  	[smem:$0x3FB0] =	sst s9;
	s0 =	simm.s32 @!p0 $0x0  }
0x12: {  	s1 =	sld [smem:$0x3F96];
	s0 =	simm.s32 @p0 $0x1  }
0x13: {  	[smem:$0x3FB1] =	sst s0;
	s0 =	simm.s32 @!p1 $0x0  }
0x14: {  	s2 =	sld [smem:$0x3F95];
	s0 =	simm.s32 @p1 $0x1  }
0x15: {  	[smem:$0x3FB2] =	sst s0;
	s0 =	simm.s32 @!p2 $0x0  }
0x16: {  	s3 =	sld [smem:$0x3FDB];
	s0 =	simm.s32 @p2 $0x1  }
0x17: {  	s4 =	simm.s32 $0x1BF5;
	[smem:$0x3FB4] =	sst s0  }
0x18: {  	s0 =	sld [smem:$0x3F97];
	_ =	swait.ge [sflag:s4], $0x0  }
0x19: {  	s7 =	sld [smem:$0x3F98]  }
0x1a: {  	s8 =	sadd.s32 $0xFFFFE003, lr  }
0x1b: {  	s9 =	sadd.s32 $0xFFFFFEF7, lr;
	s5 =	simm.s32 $0xFFFFFFFF;
	p2 =	slt.u32 s8, $0xFFFFF086  }
0x1c: {  	p1 =	slt.u32 s9, $0xF7A;
	s5 =	simm.s32 @!p2 $0x0  }
0x1d: {  	s5 =	simm.s32 @p1 $0x1;
	p0 =	seq.s32 s7, s2  }
0x1e: {  	s7 =	smul.u32 @!p0 $0xF7A, s2;
	p2 =	seq.s32 @!p0 s5, $0x0  }
0x1f: {  	s9 =	smul.u32 $0xF7A, s1;
	s8 =	simm.s32 @!p0 $0x1BF5;
	p2 =	por !p2, p0  }
0x20: {  	[sflag:s8] =	ssyncset.s32 @!p0 $0xFFFFF086;
	s6 =	sadd.s32 @!p0 s3, s7;
	s7 =	simm.s32 @!p0 $0x108  }
0x21: {  	s3 =	sadd.s32 s3, s9;
	s6 =	sadd.s32 @!p0 $0x88, s6;
	s7 =	simm.s32 @p2 $0x1082  }
0x22: {  	[simem:s7], [sflag:s8] =	dma.local @!p0 [hbm:s6], $0xF7A  }
0x23: {  	s9 =	sor.u32 $0xD0000000, s2;
	s6 =	simm.s32 $0x108;
	_ =	swait.ge @!p0 [sflag:s8], $0x0  }
0x24: {  	s3 =	sadd.s32 $0x88, s3;
	s6 =	simm.s32 @!p1 $0x1082;
	[sflag:s4] =	ssyncset.s32 $0xFFFFF086  }
0x25: {  	[simem:s6], [sflag:s4] =	dma.local [hbm:s3], $0xF7A  }
0x26: {  	[smem:$0x3F98] =	sst s1;
	(tag) =	ssettag s2;
	_ =	strace s9  }
0x27: {  	s1 =	sld [smem:$0x3FA8]  }
0x28: {  	s2 =	sld [smem:$0x3FA9]  }
0x29: {  	s4 =	sld [smem:$0x3FAB]  }
0x2a: {  	p0 =	seq.s32 s5, $0x0;
	s5 =	sld [smem:$0x3FAC]  }
0x2b: {  	s6 =	sld [smem:$0x3FAD]  }
0x2c: {  	s7 =	sld [smem:$0x3FAE]  }
0x2d: {  	s3 =	simm.s32 $0x108;
	s8 =	sld [smem:$0x3FAF]  }
0x2e: {  	s3 =	simm.s32 @!p0 $0x1082;
	s9 =	sld [smem:$0x3FB0]  }
0x2f: {  	lr =	sadd.s32 s0, s3;
	s0 =	sld [smem:$0x3FA7]  }
0x30: {  	s3 =	sld [smem:$0x3FAA]  }
0x31: {  	[smem:$0x3FB3] =	sst s10  }
0x32: {  	s10 =	sld [smem:$0x3FB1];
	_ =	sdelay $0x3  }
0x33: {  	p0 =	seq.s32 s10, $0x1;
	s10 =	sld [smem:$0x3FB3];
	_ =	sdelay $0x3  }
0x34: {  	[smem:$0x3FB3] =	sst s10  }
0x35: {  	s10 =	sld [smem:$0x3FB2];
	_ =	sdelay $0x3  }
0x36: {  	p1 =	seq.s32 s10, $0x1;
	s10 =	sld [smem:$0x3FB3];
	_ =	sdelay $0x3  }
0x37: {  	[smem:$0x3FB3] =	sst s10  }
0x38: {  	s10 =	sld [smem:$0x3FB4]  }
0x39: {  	_ = 	snop;
	(pc) =	sbr.ind lr, $3  }
0x3a: {  	_ = 	snop  }
0x3b: {  	_ = 	snop  }
0x3c: {  	p2 =	seq.s32 s10, $0x1;
	s10 =	sld [smem:$0x3FB3]  }
0x3d: {  	_ =	shalt  }
0x3e: {  	_ =	shalt  }
0x3f: {  	_ =	shalt  }
0x40: {  	_ =	shalt  }
0x41: {  	_ =	shalt  }
0x42: {  	_ =	shalt  }
0x43: {  	_ =	shalt  }
0x44: {  	_ =	shalt  }
0x45: {  	_ =	shalt  }
0x46: {  	_ =	shalt  }
0x47: {  	_ =	shalt  }
0x48: {  	_ =	shalt  }
0x49: {  	_ =	shalt  }
0x4a: {  	_ =	shalt  }
0x4b: {  	_ =	shalt  }
0x4c: {  	_ =	shalt  }
0x4d: {  	_ =	shalt  }
0x4e: {  	_ =	shalt  }
0x4f: {  	_ =	shalt  }
0x50: {  	_ =	shalt  }
0x51: {  	_ =	shalt  }
0x52: {  	_ =	shalt  }
0x53: {  	_ =	shalt  }
0x54: {  	_ =	shalt  }
0x55: {  	_ =	shalt  }
0x56: {  	_ =	shalt  }
0x57: {  	_ =	shalt  }
0x58: {  	_ =	shalt  }
0x59: {  	_ =	shalt  }
0x5a: {  	_ =	shalt  }
0x5b: {  	_ =	shalt  }
0x5c: {  	_ =	shalt  }
0x5d: {  	_ =	shalt  }
0x5e: {  	_ =	shalt  }
0x5f: {  	_ =	shalt  }
0x60: {  	_ =	shalt  }
0x61: {  	_ =	shalt  }
0x62: {  	_ =	shalt  }
0x63: {  	_ =	shalt  }
0x64: {  	_ =	shalt  }
0x65: {  	_ =	shalt  }
0x66: {  	_ =	shalt  }
0x67: {  	_ =	shalt  }
0x68: {  	_ =	shalt  }
0x69: {  	_ =	shalt  }
0x6a: {  	_ =	shalt  }
0x6b: {  	_ =	shalt  }
0x6c: {  	_ =	shalt  }
0x6d: {  	_ =	shalt  }
0x6e: {  	_ =	shalt  }
0x6f: {  	_ =	shalt  }
0x70: {  	_ =	shalt  }
0x71: {  	_ =	shalt  }
0x72: {  	_ =	shalt  }
0x73: {  	_ =	shalt  }
0x74: {  	_ =	shalt  }
0x75: {  	_ =	shalt  }
0x76: {  	_ =	shalt  }
0x77: {  	_ =	shalt  }
0x78: {  	_ =	shalt  }
0x79: {  	_ =	shalt  }
0x7a: {  	_ =	shalt  }
0x7b: {  	_ =	shalt  }
0x7c: {  	_ =	shalt  }
0x7d: {  	_ =	shalt  }
0x7e: {  	_ =	shalt  }
0x7f: {  	_ =	shalt  }
0x80: {  	_ =	shalt  }
0x81: {  	_ =	shalt  }
0x82: {  	_ =	shalt  }
0x83: {  	_ =	shalt  }
0x84: {  	_ =	shalt  }
0x85: {  	_ =	shalt  }
0x86: {  	_ =	shalt  }
0x87: {  	_ =	shalt  }
.Lfunc_end0:
.L_simem_size_0:
called_computation_lowered:
.L_overlay_start_0:
0x88: {  	s2 =	sld [smem:$0x3FD9]  }
0x89: {  	s3 =	sld [smem:$0x3FFE];
	_ =	sdelay $0x1  }
0x8a: {  	s1 =	srdreg.scid  }
0x8b: {  	s0 =	sand.u32 $0x1, s1  }
0x8c: {  	s16 =	sshll.u32 s0, $0xA;
	s2 =	sadd.s32 s3, s2  }
0x8d: {  	s2 =	sadd.s32 s2, s16  }
0x8e: {  	[smem:$0x3FBF] =	sst s2  }
0x8f: {  	_ = 	snop  }
0x90: {  	(tm) =	ssettm $0x1  }
0x91: {  	s17 =	sld [smem:$0x3FFB];
	_ =	sdelay $0x3  }
0x92: {  	_ =	strace s17  }
0x93: {  	s2 =	sld [smem:$0x3FFC];
	_ =	sdelay $0x3  }
0x94: {  	_ =	strace s2  }
0x95: {  	s2 =	sld [smem:$0x3FFD];
	_ =	sdelay $0x3  }
0x96: {  	_ =	strace s2  }
0x97: {  	_ =	strace $0x8FFFFFFF  }
0x98: {  	s18 =	sld [smem:$0x3FDB];
	_ =	sdelay $0x1  }
0x99: {  	s19 =	simm.s32 $_scs_section_size  }
0x9a: {  	s4 =	simm.s32 $_size__tile_overlayer_lowered;
	s5 =	simm.s32 $_tile_overlayer_lowered  }
0x9b: {  	s22 =	simm.s32 $0x1BFF;
	s21 =	sshll.u32 s5, $0x1;
	s2 =	sadd.s32 s19, s18  }
0x9c: {  	s6 =	simm.s32 $0x0;
	s20 =	sshll.u32 s4, $0x1;
	s4 =	sadd.s32 s21, s2  }
0x9d: {  	[timem:s6], [sflag:s22] =	dma.local [hbm:s4], s20  }
0x9e: {  	_ =	swait.ge [sflag:s22], s20  }
0x9f: {  	s3 =	ssub.s32 $0x0, s20;
	[sflag:s22] =	ssyncset.done $0x0  }
0xa0: {  	[sflag:s22] =	ssyncadd.s32 s3;
	_ =	sdelay $0x1  }
0xa1: {  	s23 =	simm.s32 $0x1B8B  }
0xa2: {  	_ =	swait.ge [sflag:s23], $0x1  }
0xa3: {  	[sflag:s23] =	ssyncset.done $0x0  }
0xa4: {  	s25 =	simm.s32 $0x1B8E;
	s24 =	sld [smem:$0x3FFE];
	[sflag:s23] =	ssyncadd.s32 $0xFFFFFFFF  }
0xa5: {  	s26 =	simm.s32 $execute0_lowered;
	[smem:$0x3FD2] =	sst s25  }
0xa6: {  	s4 =	sshll.u32 s26, $0x1;
	_ =	strace $0x80000046;
	[dreg:$0x1] =	wrdreg $0xFFFFFFFF  }
0xa7: {  	s28 =	simm.s32 $_size_execute0_lowered;
	s2 =	sadd.s32 s2, s4;
	[dreg:$0x0] =	wrdreg $0x0  }
0xa8: {  	s4 =	sshll.u32 s28, $0x1;
	[dreg:$0x2] =	wrdreg s2  }
0xa9: {  	[dreg:$0x3] =	wrdreg s4  }
0xaa: {  	[dreg:$0x4] =	wrdreg $0xC0  }
0xab: {  	_ =	task [dreg:s6], $0x5FFFF  }
0xac: {  	[dreg:$0x1] =	wrdreg $0xFFFFFFFF  }
0xad: {  	[dreg:$0x0] =	wrdreg $0x60  }
0xae: {  	[dreg:$0x2] =	wrdreg s24  }
0xaf: {  	[dreg:$0x3] =	wrdreg $0x8900  }
0xb0: {  	[dreg:$0x4] =	wrdreg $0x9  }
0xb1: {  	_ =	task.clear_ibuf [dreg:s6], $0x5FFFF;
	_ =	strace $0x90000046  }
0xb2: {  	s29 =	simm.s32 $0x9;
	_ =	strace $0x80000048  }
0xb3: {  	_ =	swait.ge [sflag:s29], $0x1  }
0xb4: {  	[sflag:s29] =	ssyncadd.s32 $0xFFFFFFFF  }
0xb5: {  	_ =	strace $0x90000048  }
0xb6: {  	_ =	sfence  }
0xb7: {  	s30 =	sld [smem:$0x0];
	_ =	sdelay $0x2  }
0xb8: {  	s31 =	sshll.u32 s1, $0xD;
	s1 =	sshrl.u32 s1, $0x2  }
0xb9: {  	s3 =	sand.u32 $0x4000, s31;
	s1 =	sadd.s32 s1, s30  }
0xba: {  	s0 =	sor.u32 s3, s0;
	s1 =	sshll.u32 s1, $0x11  }
0xbb: {  	s0 =	sor.u32 s1, s0  }
0xbc: {  	s0 =	sadd.s32 $0x8F2B, s0  }
0xbd: {  	[sflag:s0] =	ssyncadd.remote.s32 $0x1  }
0xbe: {  	_ =	sfence.sel $0xFFFF  }
0xbf: {  	[dreg:$0x0] =	wrdreg $0xFFFFFFFF;
	(pc) =	sbr.abs _section_cstart, $3  }
0xc0: {  	[dreg:$0x1] =	wrdreg $0xFFFFFFFF  }
0xc1: {  	_ =	task.clear_ibuf [dreg:s6], $0x2FFFF;
	_ =	strace $0x9FFFFFFF  }
0xc2: {  	(tm) =	ssettm $0x7FFFFFFF  }
0xc3: {  	_ =	shalt  }
tec
execute0_lowered:
.L_overlay_start_1:
0x0: {  	(tag) =	ssettag $0x1  }
0x1: {  	s5 =	rddreg [dreg:$0x0]  }
0x2: {  	s2 =	rddreg [dreg:$0x1]  }
0x3: {  	s0 =	rddreg [dreg:$0x2]  }
0x4: {  	s4 =	srdreg.scid;
	s1 =	stileid.u32  }
0x5: {  	s3 =	simm.s32 $0x0;
	s14 =	simm.s32 $0x10;
	s15 =	simm.s32 $0x0  }
0x6: {  	s6 =	sand.u32 $0x1, s4;
	s7 =	smul.u32 $0x2800, s1;
	[smem:$0x7FF] =	sst s3  }
0x7: {  	s26 =	sshll.u32 s1, $0x1;
	s9 =	sadd.s32 $0xC600, s5;
	s12 =	smul.u32 $0x4E20, s1  }
0x8: {  	s4 =	sadd.s32 $0x16400, s5;
	s30 =	sshll.u32 s1, $0x6;
	s8 =	smul.u32 $0x28000, s6  }
0x9: {  	s10 =	sor.u32 s6, s26;
	s11 =	ssub.s32 $0x2, s6;
	s6 =	smul.u32 $0x2710, s6  }
0xa: {  	_ =	strace $0x80000047;
	s10 =	smul.u32 $0x2710, s10;
	s28 =	sshrl.u32 s11, $0x1  }
0xb: {  	s13 =	sadd.s32 s7, s2;
	s8 =	sadd.s32 s7, s8;
	s11 =	ssub.s32 s11, s28  }
0xc: {  	s12 =	sadd.s32 s6, s12;
	s8 =	sshrl.u32 s8, $0x3;
	s29 =	sshrl.u32 s10, $0x3  }
0xd: {  	s31 =	sshrl.u32 s12, $0x3;
	s12 =	simm.s32 $0x80;
	s8 =	sadd.s32 s8, s5  }
0xe: {  	s10 =	sadd.s32 s9, s29;
	s5 =	sor.u32 $0x1C01, s30;
	s9 =	sadd.s32 s31, s9  }
0xf: {  	v0 =	vimm.f32 $0.0e+00;
	vm0 =	vcmask $0x300;
	s6 =	sadd.s32 $0x4E0, s10;
	s7 =	sadd.s32 $0x16A00, s8;
	s8 =	smax.u32 s11, $0x1  }
0x10: {  	v0 =	vsel vm0, $0x3F800000, v0;
	s10 =	sshrl.u32 s13, $0x3;
	s11 =	simm.s32 $0x1;
	s13 =	simm.s32 $0x90  }
.LBB2_1:
0x11: {  	s16 =	simm.s32 $0x40;
	s17 =	simm.s32 $0x0  }
.LBB2_2:
0x12: {  	p0 =	sne.s32 s16, $0x1FC0;
	[tilespmem:s17+$0x90] =	vst v0;
	s17 =	smov.u32 s16;
	s16 =	sadd.s32 $0x40, s16  }
.Ltmp0:
0x13: {  	(pc) =	sbr.rel @p0 .LBB2_2-.Ltmp0, $2  }
0x14: {  	_ =	sdelay $0x2  }
0x15: {  	s17 =	sshra.s32 s17, $0x2  }
0x16: {  	[tilespmem:s17+$0x90] =	vst v0  }
0x17: {  	[spmem:s10], [sflag:s5] =	dma.local [hbm:s4], $0x500  }
0x18: {  	_ =	swait.ge [sflag:s11], $0x500  }
0x19: {  	[sflag:s11] =	ssyncset.done $0x0  }
0x1a: {  	[sflag:s11] =	ssyncadd.s32 $0xFFFFFB00  }
0x1b: {  	s16 =	sadd.s32 $0x0, s9;
	[bflag:$0x0] =	sbarrier.arrive $0xFFFF  }
0x1c: {  	[tilespmem:s3], [sflag:$0x1] =	stream.linear.gather [hbm4b:s16+s3], $0x80, $0x38;
	[tilespmem:$0x3090] =	vst v63  }
0x1d: {  	_ =	swait.ge [sflag:s11], $0x80  }
0x1e: {  	[sflag:s11] =	ssyncset.done $0x0  }
0x1f: {  	[sflag:s11] =	ssyncadd.s32 $0xFFFFFF80  }
0x20: {  	[spmem:s2] =	stream.indirect.scatter.add.f32 [tilespmem:s13], [sflag:$0x1], $0x10, s3, s12, $0xb8;
	[tilespmem:$0x3090] =	vst v63  }
0x21: {  	_ =	swait.ge [sflag:s11], $0x800  }
0x22: {  	s17 =	simm.s32 $0x20;
	s16 =	simm.s32 $0x10;
	[sflag:s11] =	ssyncset.done $0x0  }
.LBB2_4:
0x23: {  	s18 =	sadd.s32 s16, s9  }
0x24: {  	[sflag:s11] =	ssyncadd.s32 $0xFFFFF800;
	s16 =	smov.u32 s17;
	s19 =	sadd.s32 $0x10, s17  }
0x25: {  	[tilespmem:s3], [sflag:$0x1] =	stream.linear.gather [hbm4b:s18+s3], $0x80, $0x38;
	[tilespmem:$0x3090] =	vst v63  }
0x26: {  	p0 =	sne.s32 s17, $0x4D0;
	_ =	swait.ge [sflag:s11], $0x80  }
.Ltmp1:
0x27: {  	[sflag:s11] =	ssyncset.done $0x0;
	(pc) =	sbr.rel @p0 .LBB2_4-.Ltmp1, $4  }
0x28: {  	[sflag:s11] =	ssyncadd.s32 $0xFFFFFF80  }
0x29: {  	[spmem:s2] =	stream.indirect.scatter.add.f32 [tilespmem:s13], [sflag:$0x1], $0x10, s3, s12, $0xb8;
	[tilespmem:$0x3090] =	vst v63  }
0x2a: {  	_ =	swait.ge [sflag:s11], $0x800  }
0x2b: {  	s17 =	smov.u32 s19;
	[sflag:s11] =	ssyncset.done $0x0  }
0x2c: {  	s16 =	sadd.s32 s16, s9;
	[sflag:s11] =	ssyncadd.s32 $0xFFFFF800  }
0x2d: {  	[tilespmem:s3], [sflag:$0x1] =	stream.linear.gather [hbm4b:s16+s3], $0x80, $0x38;
	[tilespmem:$0x3090] =	vst v63  }
0x2e: {  	_ =	swait.ge [sflag:s11], $0x80  }
0x2f: {  	[sflag:s11] =	ssyncset.done $0x0  }
0x30: {  	[sflag:s11] =	ssyncadd.s32 $0xFFFFFF80  }
0x31: {  	[spmem:s2] =	stream.indirect.scatter.add.f32 [tilespmem:s13], [sflag:$0x1], $0x10, s3, s12, $0xb8;
	[tilespmem:$0x3090] =	vst v63  }
0x32: {  	_ =	swait.ge [sflag:s11], $0x800  }
0x33: {  	[sflag:s11] =	ssyncset.done $0x0  }
0x34: {  	[sflag:s11] =	ssyncadd.s32 $0xFFFFF800  }
0x35: {  	[tilespmem:s12], [sflag:$0x1] =	stream.linear.gather [hbm4b:s6+s3], $0x10, $0x38;
	[tilespmem:$0x3090] =	vst v63  }
0x36: {  	_ =	swait.ge [sflag:s11], $0x10  }
0x37: {  	[sflag:s11] =	ssyncset.done $0x0  }
0x38: {  	[sflag:s11] =	ssyncadd.s32 $0xFFFFFFF0  }
0x39: {  	[spmem:s2] =	stream.indirect.scatter.add.f32 [tilespmem:s13], [sflag:$0x1], $0x10, s12, s14, $0xb8;
	[tilespmem:$0x3090] =	vst v63  }
0x3a: {  	_ =	swait.ge [sflag:s11], $0x100  }
0x3b: {  	s15 =	sadd.s32 $0x1, s15;
	[sflag:s11] =	ssyncset.done $0x0  }
0x3c: {  	p0 =	sne.s32 s15, s8;
	[sflag:s11] =	ssyncadd.s32 $0xFFFFFF00  }
.Ltmp2:
0x3d: {  	[bflag:$0x0] =	sbarrier.arrive $0xFFFF;
	(pc) =	sbr.rel @p0 .LBB2_1-.Ltmp2, $4  }
0x3e: {  	[hbm:s7], [sflag:s5] =	dma.local [spmem:s10], $0x500  }
0x3f: {  	_ =	swait.ge [sflag:s11], $0x500  }
0x40: {  	[sflag:s11] =	ssyncset.done $0x0  }
0x41: {  	[sflag:s11] =	ssyncadd.s32 $0xFFFFFB00  }
0x42: {  	_ =	sfence.sel $0x180000  }
0x43: {  	[bflag:$0x0] =	sbarrier.arrive $0xFFFF  }
0x44: {  	p0 =	sne.s32 s1, $0x0;
	_ =	strace $0x90000047  }
0x45: {  	s0 =	sadd.s32 @!p0 $0x100000, s0;
	[bflag:$0x2] =	sbarrier.arrive $0xFFFF  }
0x46: {  	[sflag:s0] =	ssyncadd.tile.s32 @!p0 $0x1;
	_ =	shalt  }
.Lfunc_end2:
_tile_overlayer_lowered:
.L_overlay_start_2:
0x47: {  	(tag) =	ssettag $0x2  }
0x48: {  	s0 =	rddreg [dreg:$0x0];
	s2 =	stileid.u32  }
0x49: {  	s1 =	rddreg [dreg:$0x1];
	p0 =	sne.s32 s2, $0x0  }
0x4a: {  	s3 =	rddreg [dreg:$0x2];
	[bflag:$0x3] =	sbarrier.arrive $0xFFFF;
	s2 =	simm.s32 @!p0 $0x1C01  }
0x4b: {  	[timem:s3], [sflag:s2] =	dma.local @!p0 [hbm:s0], s1  }
0x4c: {  	s0 =	simm.s32 @!p0 $0x1  }
0x4d: {  	_ =	swait.ge @!p0 [sflag:s0], s1  }
0x4e: {  	s1 =	ssub.s32 @!p0 $0x0, s1;
	[sflag:s0] =	ssyncset.done @!p0 $0x0  }
0x4f: {  	[sflag:s0] =	ssyncadd.s32 @!p0 s1  }
0x50: {  	[bflag:$0x3] =	sbarrier.arrive $0xFFFF  }
0x51: {  	_ =	shalt  }

</sc_bundles>
